<compile_context>
chip_gen: v7x
topology: tpu7x:2x2x1
jax: 0.10.2.dev20260603
libtpu: 0.0.44.dev20260713+nightly
codegen_flags: <defaults>
</compile_context>

<pallas_src>
import functools

import jax
import jax.numpy as jnp
from jax.experimental import pallas as pl

NR = 22350
NP = 22528
BM = 256
C = 51
NO = 150
OC = 151
GI = NP // BM
BN = 2048
GJ = NP // BN


def _prep_body(rel_ref, i0_ref, i1_ref, obj_ref, comb_ref,
               oscore_ref, ocls_ref):
    i = pl.program_id(0)
    po = jax.nn.softmax(obj_ref[...], axis=-1)
    po1 = po[:, 1:]
    om = jnp.max(po1, axis=1, keepdims=True)

    @pl.when(i == 0)
    def _():
        oi = jax.lax.broadcasted_iota(jnp.int32, (NO, OC - 1), 1)
        ocls_ref[...] = jnp.min(jnp.where(po1 == om, oi, OC), axis=1,
                                keepdims=True) + 1
        oscore_ref[...] = om

    p = jax.nn.softmax(rel_ref[...], axis=-1)
    p1 = p[:, 1:]
    rmax = jnp.max(p1, axis=1, keepdims=True)
    rio = jax.lax.broadcasted_iota(jnp.int32, (BM, C - 1), 1)
    rcls = jnp.min(jnp.where(p1 == rmax, rio, C), axis=1, keepdims=True) + 1

    bc = functools.partial(jax.lax.bitcast_convert_type,
                           new_dtype=jnp.float32)
    comb_ref[...] = jnp.concatenate(
        [p, bc(i0_ref[...]), bc(i1_ref[...]), bc(rcls),
         jnp.zeros((BM, 74), jnp.float32)], axis=1)


def _rank_main_body(ki_ref, kj_ref, out_ref, acc_ref):
    i = pl.program_id(0)
    j = pl.program_id(1)

    @pl.when(j == 0)
    def _():
        acc_ref[...] = jnp.zeros_like(acc_ref)

    idiag = i // (BN // BM)

    @pl.when(j != idiag)
    def _():
        tb = jnp.where(j < idiag, 1, 0).astype(jnp.int32)
        kj = kj_ref[...] + tb
        ki = ki_ref[...]
        acc = acc_ref[...]
        for jr in range(16):
            acc = acc + (kj[jr:jr + 1, :] > ki).astype(jnp.int32)
        acc_ref[...] = acc

    @pl.when(j == GJ - 1)
    def _():
        out_ref[...] = jnp.sum(acc_ref[...], axis=1, keepdims=True)


def _rank_diag_body(ki_ref, kj_ref, part_ref, out_ref):
    i = pl.program_id(0)
    ki = ki_ref[...]
    kj = kj_ref[...]
    irow = i * BM + jax.lax.broadcasted_iota(jnp.int32, (BM, 1), 0)
    jbase = ((i // (BN // BM)) * BN
             + jax.lax.broadcasted_iota(jnp.int32, (1, 128), 1))
    acc = jnp.zeros((BM, 128), jnp.int32)
    for jr in range(16):
        tb = ((jbase + jr * 128) < irow).astype(jnp.int32)
        acc = acc + ((kj[jr:jr + 1, :] + tb) > ki).astype(jnp.int32)
    out_ref[...] = part_ref[...] + jnp.sum(acc, axis=1, keepdims=True)


NWORK = 32
RPW = NP // NWORK
IROWS = 8
IW = RPW // IROWS


def _sc_scatter():
    from jax.experimental.pallas import tpu as pltpu
    from jax.experimental.pallas import tpu_sc as plsc
    from jax import lax

    mesh = plsc.VectorSubcoreMesh(core_axis_name="c", subcore_axis_name="s")

    @functools.partial(
        pl.kernel, mesh=mesh,
        out_type=jax.ShapeDtypeStruct((NP, 128), jnp.float32),
        scratch_types=[
            pltpu.VMEM((IROWS, IW), jnp.int32),
            pltpu.VMEM((RPW, 128), jnp.float32),
            pltpu.SemaphoreType.DMA,
        ],
    )
    def scat(comb_hbm, ranks_hbm, out_hbm, idx_v, rows_v, sem):
        wid = lax.axis_index("s") * 2 + lax.axis_index("c")
        pltpu.sync_copy(ranks_hbm.at[pl.ds(wid * IROWS, IROWS)], idx_v)
        pltpu.sync_copy(comb_hbm.at[pl.ds(wid * RPW, RPW)], rows_v)
        copies = [
            pltpu.async_copy(rows_v.at[pl.ds(jj * IW, IW)],
                             out_hbm.at[idx_v.at[jj]], sem)
            for jj in range(IROWS)
        ]
        for cp in copies:
            cp.wait()

    return scat


def _apply_perm(comb, ranks):
    return _sc_scatter()(comb, ranks.reshape(NWORK * IROWS, IW))


def kernel(rel_logit, obj_logit, rel_pair_idx):
    pad = NP - NR
    rel_p = jnp.pad(rel_logit, ((0, pad), (0, 0)))
    i0 = jnp.pad(rel_pair_idx[:, 0], (0, pad)).reshape(NP, 1)
    i1 = jnp.pad(rel_pair_idx[:, 1], (0, pad)).reshape(NP, 1)

    comb, oscore, ocls = pl.pallas_call(
        _prep_body,
        grid=(GI,),
        in_specs=[
            pl.BlockSpec((BM, C), lambda i: (i, 0)),
            pl.BlockSpec((BM, 1), lambda i: (i, 0)),
            pl.BlockSpec((BM, 1), lambda i: (i, 0)),
            pl.BlockSpec((NO, OC), lambda i: (0, 0)),
        ],
        out_specs=[
            pl.BlockSpec((BM, 128), lambda i: (i, 0)),
            pl.BlockSpec((NO, 1), lambda i: (0, 0)),
            pl.BlockSpec((NO, 1), lambda i: (0, 0)),
        ],
        out_shape=[
            jax.ShapeDtypeStruct((NP, 128), jnp.float32),
            jax.ShapeDtypeStruct((NO, 1), jnp.float32),
            jax.ShapeDtypeStruct((NO, 1), jnp.int32),
        ],
    )(rel_p, i0, i1, obj_logit)

    ocp = jax.nn.softmax(obj_logit, axis=-1)
    osc = jnp.max(ocp[:, 1:], axis=1)
    rcp = jax.nn.softmax(rel_logit, axis=-1)
    rsc = jnp.max(rcp[:, 1:], axis=1)
    trip = rsc * osc[rel_pair_idx[:, 0]] * osc[rel_pair_idx[:, 1]]
    kx = jax.lax.bitcast_convert_type(trip, jnp.int32)
    key2 = (jnp.pad(kx, (0, NP - NR), constant_values=-1) * 2).reshape(NP, 1)

    key_rows = key2.reshape(NP // 128, 128)
    part = pl.pallas_call(
        _rank_main_body,
        grid=(GI, GJ),
        in_specs=[
            pl.BlockSpec((BM, 1), lambda i, j: (i, 0)),
            pl.BlockSpec((BN // 128, 128), lambda i, j: (j, 0)),
        ],
        out_specs=pl.BlockSpec((BM, 1), lambda i, j: (i, 0)),
        out_shape=jax.ShapeDtypeStruct((NP, 1), jnp.int32),
        scratch_shapes=[pltpu_vmem((BM, 128), jnp.int32)],
        compiler_params=_tc_params(),
    )(key2, key_rows)
    ranks = pl.pallas_call(
        _rank_diag_body,
        grid=(GI,),
        in_specs=[
            pl.BlockSpec((BM, 1), lambda i: (i, 0)),
            pl.BlockSpec((BN // 128, 128), lambda i: (i // (BN // BM), 0)),
            pl.BlockSpec((BM, 1), lambda i: (i, 0)),
        ],
        out_specs=pl.BlockSpec((BM, 1), lambda i: (i, 0)),
        out_shape=jax.ShapeDtypeStruct((NP, 1), jnp.int32),
    )(key2, key_rows, part)

    sorted_comb = _apply_perm(comb, ranks.reshape(NP))[:NR]
    prob = sorted_comb[:, :C]
    bci = functools.partial(jax.lax.bitcast_convert_type,
                            new_dtype=jnp.int32)
    pair = bci(sorted_comb[:, C:C + 2])
    labels = bci(sorted_comb[:, C + 2])
    return (ocls.reshape(NO), oscore.reshape(NO), pair, prob, labels)


def pltpu_vmem(shape, dtype):
    from jax.experimental.pallas import tpu as pltpu
    return pltpu.VMEM(shape, dtype)


def _tc_params():
    from jax.experimental.pallas import tpu as pltpu
    return pltpu.CompilerParams(
        dimension_semantics=("arbitrary", "arbitrary"))

# --- scband reference (transcript-rebuilt; emitter-appended) ---
"""Pipeline reference for scband-post-processor-78065325572344 (READ-ONLY COPY).

The authoritative reference and input builder live on the scoring server;
editing this copy changes nothing except your own understanding.
"""

import jax, jax.numpy as jnp
import numpy as np

NUM_OBJ = 150
NUM_OBJ_CLS = 151
NUM_REL = 22350  # 150 * 149 GT-box dense pairs (Visual Genome SGG setting)
NUM_REL_CLS = 51


def setup_inputs(seed: int = 0) -> dict:
    key = jax.random.key(seed)
    k1, k2, k3 = jax.random.split(key, 3)
    rel_logit = jax.random.normal(k1, (NUM_REL, NUM_REL_CLS), dtype=jnp.float32)
    obj_logit = jax.random.normal(k2, (NUM_OBJ, NUM_OBJ_CLS), dtype=jnp.float32)
    rel_pair_idx = jax.random.randint(k3, (NUM_REL, 2), 0, NUM_OBJ, dtype=jnp.int32)
    return {"rel_logit": rel_logit, "obj_logit": obj_logit, "rel_pair_idx": rel_pair_idx}


def reference(rel_logit, obj_logit, rel_pair_idx):
    # PostProcessor forward, single-image list, use_gt_box=True, attribute_on=False,
    # no balanced-norm / stl / hmc branches (all defaults False).
    # obj_class_prob = softmax(obj_logit); background column zeroed
    obj_class_prob = jax.nn.softmax(obj_logit, axis=-1)
    obj_class_prob = obj_class_prob.at[:, 0].set(0.0)
    # use_gt_box path: max over non-background classes
    obj_scores = jnp.max(obj_class_prob[:, 1:], axis=1)
    obj_pred = jnp.argmax(obj_class_prob[:, 1:], axis=1) + 1
    obj_class = obj_pred
    # gather subject/object scores per relation pair
    obj_scores0 = obj_scores[rel_pair_idx[:, 0]]
    obj_scores1 = obj_scores[rel_pair_idx[:, 1]]
    # relation class probabilities
    rel_class_prob = jax.nn.softmax(rel_logit, axis=-1)
    rel_scores = jnp.max(rel_class_prob[:, 1:], axis=1)
    rel_class = jnp.argmax(rel_class_prob[:, 1:], axis=1) + 1
    # triple score and descending sort
    triple_scores = rel_scores * obj_scores0 * obj_scores1
    sorting_idx = jnp.argsort(-triple_scores)
    rel_pair_idx_sorted = rel_pair_idx[sorting_idx]
    rel_class_prob_sorted = rel_class_prob[sorting_idx]
    rel_labels = rel_class[sorting_idx]
    # BoxList fields returned as a tuple:
    # (pred_labels, pred_scores, rel_pair_idxs, pred_rel_scores, pred_rel_labels)
    return (obj_class, obj_scores, rel_pair_idx_sorted, rel_class_prob_sorted, rel_labels)

if __name__ == "__main__":
    import jax
    _d = setup_inputs()
    print(jax.jit(kernel)(*tuple(_d.values())))

</pallas_src>

<mosaic_0001>
#map = affine_map<(d0, d1) -> (0, 0)>
module attributes {stable_mosaic.version = 14 : i64} {
  func.func @scat(%arg0: i32, %arg1: i32, %arg2: memref<22528x128xf32, #tpu.memory_space<hbm>>, %arg3: memref<256x88xi32, #tpu.memory_space<hbm>>, %arg4: memref<22528x128xf32, #tpu.memory_space<hbm>>, %arg5: memref<8x88xi32, #tpu.memory_space<vmem>>, %arg6: memref<704x128xf32, #tpu.memory_space<vmem>>, %arg7: memref<!tpu.dma_semaphore, #tpu.memory_space<semaphore_mem>>) attributes {dimension_semantics = [#tpu.dimension_semantics<core_parallel>, #tpu.dimension_semantics<subcore_parallel>], iteration_bounds = array<i64: 2, 16>, scalar_prefetch = 0 : i64, scratch_operands = 3 : i64, tpu.core_type = #tpu.core_type<sc_vector_subcore>, window_params = [{transform_indices = #map}, {transform_indices = #map}, {transform_indices = #map}]} {
    %mul3A = arith.constant 2 : i32
    %mul3A_0 = arith.muli %arg1, %mul3A : i32
    %add3A = arith.addi %mul3A_0, %arg0 : i32
    %mul3A_1 = arith.constant 8 : i32
    %mul3A_2 = arith.muli %add3A, %mul3A_1 : i32
    "tpu.region"() ({
      %run_scoped3A = tpu.sem_alloc : memref<!tpu.dma_semaphore, #tpu.memory_space<semaphore_mem>>
      %dma_start3A_163 = arith.constant 0 : i32
      %dma_start3A_164 = tpu.memref_slice %arg3[%mul3A_2, %dma_start3A_163] : memref<256x88xi32, #tpu.memory_space<hbm>> -> memref<8x88xi32, #tpu.memory_space<hbm>>
      %dma_start3A_165 = arith.constant 0 : i32
      %dma_start3A_166 = tpu.memref_slice %arg3[%mul3A_2, %dma_start3A_165] : memref<256x88xi32, #tpu.memory_space<hbm>> -> memref<8x88xi32, #tpu.memory_space<hbm>>
      tpu.enqueue_dma source(%dma_start3A_166 : memref<8x88xi32, #tpu.memory_space<hbm>>) target(%arg5 : memref<8x88xi32, #tpu.memory_space<vmem>>) target_semaphore(%run_scoped3A : memref<!tpu.dma_semaphore, #tpu.memory_space<semaphore_mem>>)
      %dma_wait3A_167 = arith.constant 0 : i32
      %dma_wait3A_168 = tpu.memref_slice %arg3[%mul3A_2, %dma_wait3A_167] : memref<256x88xi32, #tpu.memory_space<hbm>> -> memref<8x88xi32, #tpu.memory_space<hbm>>
      %dma_wait3A_169 = arith.constant 0 : i32
      %dma_wait3A_170 = tpu.memref_slice %arg3[%mul3A_2, %dma_wait3A_169] : memref<256x88xi32, #tpu.memory_space<hbm>> -> memref<8x88xi32, #tpu.memory_space<hbm>>
      tpu.wait_dma2 semaphore(%run_scoped3A : memref<!tpu.dma_semaphore, #tpu.memory_space<semaphore_mem>>) src(%dma_wait3A_170 : memref<8x88xi32, #tpu.memory_space<hbm>>) dst(%arg5 : memref<8x88xi32, #tpu.memory_space<vmem>>)
      tpu.yield
    }) : () -> ()
    %mul3A_3 = arith.constant 704 : i32
    %mul3A_4 = arith.muli %add3A, %mul3A_3 : i32
    "tpu.region"() ({
      %run_scoped3A = tpu.sem_alloc : memref<!tpu.dma_semaphore, #tpu.memory_space<semaphore_mem>>
      %dma_start3A_163 = arith.constant 0 : i32
      %dma_start3A_164 = tpu.memref_slice %arg2[%mul3A_4, %dma_start3A_163] : memref<22528x128xf32, #tpu.memory_space<hbm>> -> memref<704x128xf32, #tpu.memory_space<hbm>>
      %dma_start3A_165 = arith.constant 0 : i32
      %dma_start3A_166 = tpu.memref_slice %arg2[%mul3A_4, %dma_start3A_165] : memref<22528x128xf32, #tpu.memory_space<hbm>> -> memref<704x128xf32, #tpu.memory_space<hbm>>
      tpu.enqueue_dma source(%dma_start3A_166 : memref<704x128xf32, #tpu.memory_space<hbm>>) target(%arg6 : memref<704x128xf32, #tpu.memory_space<vmem>>) target_semaphore(%run_scoped3A : memref<!tpu.dma_semaphore, #tpu.memory_space<semaphore_mem>>)
      %dma_wait3A_167 = arith.constant 0 : i32
      %dma_wait3A_168 = tpu.memref_slice %arg2[%mul3A_4, %dma_wait3A_167] : memref<22528x128xf32, #tpu.memory_space<hbm>> -> memref<704x128xf32, #tpu.memory_space<hbm>>
      %dma_wait3A_169 = arith.constant 0 : i32
      %dma_wait3A_170 = tpu.memref_slice %arg2[%mul3A_4, %dma_wait3A_169] : memref<22528x128xf32, #tpu.memory_space<hbm>> -> memref<704x128xf32, #tpu.memory_space<hbm>>
      tpu.wait_dma2 semaphore(%run_scoped3A : memref<!tpu.dma_semaphore, #tpu.memory_space<semaphore_mem>>) src(%dma_wait3A_170 : memref<704x128xf32, #tpu.memory_space<hbm>>) dst(%arg6 : memref<704x128xf32, #tpu.memory_space<vmem>>)
      tpu.yield
    }) : () -> ()
    %dma_start3A = arith.constant 0 : i32
    %dma_start3A_5 = arith.constant 0 : i32
    %dma_start3A_6 = arith.constant 0 : i32
    %dma_start3A_7 = tpu.memref_slice %arg6[%dma_start3A_5, %dma_start3A_6] : memref<704x128xf32, #tpu.memory_space<vmem>> -> memref<88x128xf32, #tpu.memory_space<vmem>>
    %dma_start3A_8 = arith.constant 0 : i32
    %dma_start3A_9 = tpu.memref_slice %arg5[%dma_start3A, %dma_start3A_8] : memref<8x88xi32, #tpu.memory_space<vmem>> -> memref<1x88xi32, #tpu.memory_space<vmem>>
    %dma_start3A_10 = tpu.memref_squeeze %dma_start3A_9 : memref<1x88xi32, #tpu.memory_space<vmem>> -> memref<88xi32, #tpu.memory_space<vmem>>
    %dma_start3A_11 = arith.constant 0 : i32
    %dma_start3A_12 = arith.constant 0 : i32
    %dma_start3A_13 = tpu.memref_slice %arg4[%dma_start3A_11, %dma_start3A_12] : memref<22528x128xf32, #tpu.memory_space<hbm>> -> memref<22528x128xf32, #tpu.memory_space<hbm>>
    tpu.enqueue_indirect_dma source(%dma_start3A_7 : memref<88x128xf32, #tpu.memory_space<vmem>>) target(%dma_start3A_13 : memref<22528x128xf32, #tpu.memory_space<hbm>>) offsets(%dma_start3A_10 : memref<88xi32, #tpu.memory_space<vmem>>) semaphore(%arg7 : memref<!tpu.dma_semaphore, #tpu.memory_space<semaphore_mem>>)
    %dma_start3A_14 = arith.constant 1 : i32
    %dma_start3A_15 = arith.constant 88 : i32
    %dma_start3A_16 = arith.constant 0 : i32
    %dma_start3A_17 = tpu.memref_slice %arg6[%dma_start3A_15, %dma_start3A_16] : memref<704x128xf32, #tpu.memory_space<vmem>> -> memref<88x128xf32, #tpu.memory_space<vmem>>
    %dma_start3A_18 = arith.constant 0 : i32
    %dma_start3A_19 = tpu.memref_slice %arg5[%dma_start3A_14, %dma_start3A_18] : memref<8x88xi32, #tpu.memory_space<vmem>> -> memref<1x88xi32, #tpu.memory_space<vmem>>
    %dma_start3A_20 = tpu.memref_squeeze %dma_start3A_19 : memref<1x88xi32, #tpu.memory_space<vmem>> -> memref<88xi32, #tpu.memory_space<vmem>>
    %dma_start3A_21 = arith.constant 0 : i32
    %dma_start3A_22 = arith.constant 0 : i32
    %dma_start3A_23 = tpu.memref_slice %arg4[%dma_start3A_21, %dma_start3A_22] : memref<22528x128xf32, #tpu.memory_space<hbm>> -> memref<22528x128xf32, #tpu.memory_space<hbm>>
    tpu.enqueue_indirect_dma source(%dma_start3A_17 : memref<88x128xf32, #tpu.memory_space<vmem>>) target(%dma_start3A_23 : memref<22528x128xf32, #tpu.memory_space<hbm>>) offsets(%dma_start3A_20 : memref<88xi32, #tpu.memory_space<vmem>>) semaphore(%arg7 : memref<!tpu.dma_semaphore, #tpu.memory_space<semaphore_mem>>)
    %dma_start3A_24 = arith.constant 2 : i32
    %dma_start3A_25 = arith.constant 176 : i32
    %dma_start3A_26 = arith.constant 0 : i32
    %dma_start3A_27 = tpu.memref_slice %arg6[%dma_start3A_25, %dma_start3A_26] : memref<704x128xf32, #tpu.memory_space<vmem>> -> memref<88x128xf32, #tpu.memory_space<vmem>>
    %dma_start3A_28 = arith.constant 0 : i32
    %dma_start3A_29 = tpu.memref_slice %arg5[%dma_start3A_24, %dma_start3A_28] : memref<8x88xi32, #tpu.memory_space<vmem>> -> memref<1x88xi32, #tpu.memory_space<vmem>>
    %dma_start3A_30 = tpu.memref_squeeze %dma_start3A_29 : memref<1x88xi32, #tpu.memory_space<vmem>> -> memref<88xi32, #tpu.memory_space<vmem>>
    %dma_start3A_31 = arith.constant 0 : i32
    %dma_start3A_32 = arith.constant 0 : i32
    %dma_start3A_33 = tpu.memref_slice %arg4[%dma_start3A_31, %dma_start3A_32] : memref<22528x128xf32, #tpu.memory_space<hbm>> -> memref<22528x128xf32, #tpu.memory_space<hbm>>
    tpu.enqueue_indirect_dma source(%dma_start3A_27 : memref<88x128xf32, #tpu.memory_space<vmem>>) target(%dma_start3A_33 : memref<22528x128xf32, #tpu.memory_space<hbm>>) offsets(%dma_start3A_30 : memref<88xi32, #tpu.memory_space<vmem>>) semaphore(%arg7 : memref<!tpu.dma_semaphore, #tpu.memory_space<semaphore_mem>>)
    %dma_start3A_34 = arith.constant 3 : i32
    %dma_start3A_35 = arith.constant 264 : i32
    %dma_start3A_36 = arith.constant 0 : i32
    %dma_start3A_37 = tpu.memref_slice %arg6[%dma_start3A_35, %dma_start3A_36] : memref<704x128xf32, #tpu.memory_space<vmem>> -> memref<88x128xf32, #tpu.memory_space<vmem>>
    %dma_start3A_38 = arith.constant 0 : i32
    %dma_start3A_39 = tpu.memref_slice %arg5[%dma_start3A_34, %dma_start3A_38] : memref<8x88xi32, #tpu.memory_space<vmem>> -> memref<1x88xi32, #tpu.memory_space<vmem>>
    %dma_start3A_40 = tpu.memref_squeeze %dma_start3A_39 : memref<1x88xi32, #tpu.memory_space<vmem>> -> memref<88xi32, #tpu.memory_space<vmem>>
    %dma_start3A_41 = arith.constant 0 : i32
    %dma_start3A_42 = arith.constant 0 : i32
    %dma_start3A_43 = tpu.memref_slice %arg4[%dma_start3A_41, %dma_start3A_42] : memref<22528x128xf32, #tpu.memory_space<hbm>> -> memref<22528x128xf32, #tpu.memory_space<hbm>>
    tpu.enqueue_indirect_dma source(%dma_start3A_37 : memref<88x128xf32, #tpu.memory_space<vmem>>) target(%dma_start3A_43 : memref<22528x128xf32, #tpu.memory_space<hbm>>) offsets(%dma_start3A_40 : memref<88xi32, #tpu.memory_space<vmem>>) semaphore(%arg7 : memref<!tpu.dma_semaphore, #tpu.memory_space<semaphore_mem>>)
    %dma_start3A_44 = arith.constant 4 : i32
    %dma_start3A_45 = arith.constant 352 : i32
    %dma_start3A_46 = arith.constant 0 : i32
    %dma_start3A_47 = tpu.memref_slice %arg6[%dma_start3A_45, %dma_start3A_46] : memref<704x128xf32, #tpu.memory_space<vmem>> -> memref<88x128xf32, #tpu.memory_space<vmem>>
    %dma_start3A_48 = arith.constant 0 : i32
    %dma_start3A_49 = tpu.memref_slice %arg5[%dma_start3A_44, %dma_start3A_48] : memref<8x88xi32, #tpu.memory_space<vmem>> -> memref<1x88xi32, #tpu.memory_space<vmem>>
    %dma_start3A_50 = tpu.memref_squeeze %dma_start3A_49 : memref<1x88xi32, #tpu.memory_space<vmem>> -> memref<88xi32, #tpu.memory_space<vmem>>
    %dma_start3A_51 = arith.constant 0 : i32
    %dma_start3A_52 = arith.constant 0 : i32
    %dma_start3A_53 = tpu.memref_slice %arg4[%dma_start3A_51, %dma_start3A_52] : memref<22528x128xf32, #tpu.memory_space<hbm>> -> memref<22528x128xf32, #tpu.memory_space<hbm>>
    tpu.enqueue_indirect_dma source(%dma_start3A_47 : memref<88x128xf32, #tpu.memory_space<vmem>>) target(%dma_start3A_53 : memref<22528x128xf32, #tpu.memory_space<hbm>>) offsets(%dma_start3A_50 : memref<88xi32, #tpu.memory_space<vmem>>) semaphore(%arg7 : memref<!tpu.dma_semaphore, #tpu.memory_space<semaphore_mem>>)
    %dma_start3A_54 = arith.constant 5 : i32
    %dma_start3A_55 = arith.constant 440 : i32
    %dma_start3A_56 = arith.constant 0 : i32
    %dma_start3A_57 = tpu.memref_slice %arg6[%dma_start3A_55, %dma_start3A_56] : memref<704x128xf32, #tpu.memory_space<vmem>> -> memref<88x128xf32, #tpu.memory_space<vmem>>
    %dma_start3A_58 = arith.constant 0 : i32
    %dma_start3A_59 = tpu.memref_slice %arg5[%dma_start3A_54, %dma_start3A_58] : memref<8x88xi32, #tpu.memory_space<vmem>> -> memref<1x88xi32, #tpu.memory_space<vmem>>
    %dma_start3A_60 = tpu.memref_squeeze %dma_start3A_59 : memref<1x88xi32, #tpu.memory_space<vmem>> -> memref<88xi32, #tpu.memory_space<vmem>>
    %dma_start3A_61 = arith.constant 0 : i32
    %dma_start3A_62 = arith.constant 0 : i32
    %dma_start3A_63 = tpu.memref_slice %arg4[%dma_start3A_61, %dma_start3A_62] : memref<22528x128xf32, #tpu.memory_space<hbm>> -> memref<22528x128xf32, #tpu.memory_space<hbm>>
    tpu.enqueue_indirect_dma source(%dma_start3A_57 : memref<88x128xf32, #tpu.memory_space<vmem>>) target(%dma_start3A_63 : memref<22528x128xf32, #tpu.memory_space<hbm>>) offsets(%dma_start3A_60 : memref<88xi32, #tpu.memory_space<vmem>>) semaphore(%arg7 : memref<!tpu.dma_semaphore, #tpu.memory_space<semaphore_mem>>)
    %dma_start3A_64 = arith.constant 6 : i32
    %dma_start3A_65 = arith.constant 528 : i32
    %dma_start3A_66 = arith.constant 0 : i32
    %dma_start3A_67 = tpu.memref_slice %arg6[%dma_start3A_65, %dma_start3A_66] : memref<704x128xf32, #tpu.memory_space<vmem>> -> memref<88x128xf32, #tpu.memory_space<vmem>>
    %dma_start3A_68 = arith.constant 0 : i32
    %dma_start3A_69 = tpu.memref_slice %arg5[%dma_start3A_64, %dma_start3A_68] : memref<8x88xi32, #tpu.memory_space<vmem>> -> memref<1x88xi32, #tpu.memory_space<vmem>>
    %dma_start3A_70 = tpu.memref_squeeze %dma_start3A_69 : memref<1x88xi32, #tpu.memory_space<vmem>> -> memref<88xi32, #tpu.memory_space<vmem>>
    %dma_start3A_71 = arith.constant 0 : i32
    %dma_start3A_72 = arith.constant 0 : i32
    %dma_start3A_73 = tpu.memref_slice %arg4[%dma_start3A_71, %dma_start3A_72] : memref<22528x128xf32, #tpu.memory_space<hbm>> -> memref<22528x128xf32, #tpu.memory_space<hbm>>
    tpu.enqueue_indirect_dma source(%dma_start3A_67 : memref<88x128xf32, #tpu.memory_space<vmem>>) target(%dma_start3A_73 : memref<22528x128xf32, #tpu.memory_space<hbm>>) offsets(%dma_start3A_70 : memref<88xi32, #tpu.memory_space<vmem>>) semaphore(%arg7 : memref<!tpu.dma_semaphore, #tpu.memory_space<semaphore_mem>>)
    %dma_start3A_74 = arith.constant 7 : i32
    %dma_start3A_75 = arith.constant 616 : i32
    %dma_start3A_76 = arith.constant 0 : i32
    %dma_start3A_77 = tpu.memref_slice %arg6[%dma_start3A_75, %dma_start3A_76] : memref<704x128xf32, #tpu.memory_space<vmem>> -> memref<88x128xf32, #tpu.memory_space<vmem>>
    %dma_start3A_78 = arith.constant 0 : i32
    %dma_start3A_79 = tpu.memref_slice %arg5[%dma_start3A_74, %dma_start3A_78] : memref<8x88xi32, #tpu.memory_space<vmem>> -> memref<1x88xi32, #tpu.memory_space<vmem>>
    %dma_start3A_80 = tpu.memref_squeeze %dma_start3A_79 : memref<1x88xi32, #tpu.memory_space<vmem>> -> memref<88xi32, #tpu.memory_space<vmem>>
    %dma_start3A_81 = arith.constant 0 : i32
    %dma_start3A_82 = arith.constant 0 : i32
    %dma_start3A_83 = tpu.memref_slice %arg4[%dma_start3A_81, %dma_start3A_82] : memref<22528x128xf32, #tpu.memory_space<hbm>> -> memref<22528x128xf32, #tpu.memory_space<hbm>>
    tpu.enqueue_indirect_dma source(%dma_start3A_77 : memref<88x128xf32, #tpu.memory_space<vmem>>) target(%dma_start3A_83 : memref<22528x128xf32, #tpu.memory_space<hbm>>) offsets(%dma_start3A_80 : memref<88xi32, #tpu.memory_space<vmem>>) semaphore(%arg7 : memref<!tpu.dma_semaphore, #tpu.memory_space<semaphore_mem>>)
    %dma_wait3A = arith.constant 0 : i32
    %dma_wait3A_84 = arith.constant 0 : i32
    %dma_wait3A_85 = arith.constant 0 : i32
    %dma_wait3A_86 = tpu.memref_slice %arg6[%dma_wait3A_84, %dma_wait3A_85] : memref<704x128xf32, #tpu.memory_space<vmem>> -> memref<88x128xf32, #tpu.memory_space<vmem>>
    %dma_wait3A_87 = arith.constant 0 : i32
    %dma_wait3A_88 = tpu.memref_slice %arg5[%dma_wait3A, %dma_wait3A_87] : memref<8x88xi32, #tpu.memory_space<vmem>> -> memref<1x88xi32, #tpu.memory_space<vmem>>
    %dma_wait3A_89 = tpu.memref_squeeze %dma_wait3A_88 : memref<1x88xi32, #tpu.memory_space<vmem>> -> memref<88xi32, #tpu.memory_space<vmem>>
    %dma_wait3A_90 = arith.constant 0 : i32
    %dma_wait3A_91 = arith.constant 0 : i32
    %dma_wait3A_92 = tpu.memref_slice %arg4[%dma_wait3A_90, %dma_wait3A_91] : memref<22528x128xf32, #tpu.memory_space<hbm>> -> memref<22528x128xf32, #tpu.memory_space<hbm>>
    tpu.wait_indirect_dma semaphore(%arg7 : memref<!tpu.dma_semaphore, #tpu.memory_space<semaphore_mem>>) src(%dma_wait3A_86 : memref<88x128xf32, #tpu.memory_space<vmem>>) dst(%dma_wait3A_92 : memref<22528x128xf32, #tpu.memory_space<hbm>>)
    %dma_wait3A_93 = arith.constant 1 : i32
    %dma_wait3A_94 = arith.constant 88 : i32
    %dma_wait3A_95 = arith.constant 0 : i32
    %dma_wait3A_96 = tpu.memref_slice %arg6[%dma_wait3A_94, %dma_wait3A_95] : memref<704x128xf32, #tpu.memory_space<vmem>> -> memref<88x128xf32, #tpu.memory_space<vmem>>
    %dma_wait3A_97 = arith.constant 0 : i32
    %dma_wait3A_98 = tpu.memref_slice %arg5[%dma_wait3A_93, %dma_wait3A_97] : memref<8x88xi32, #tpu.memory_space<vmem>> -> memref<1x88xi32, #tpu.memory_space<vmem>>
    %dma_wait3A_99 = tpu.memref_squeeze %dma_wait3A_98 : memref<1x88xi32, #tpu.memory_space<vmem>> -> memref<88xi32, #tpu.memory_space<vmem>>
    %dma_wait3A_100 = arith.constant 0 : i32
    %dma_wait3A_101 = arith.constant 0 : i32
    %dma_wait3A_102 = tpu.memref_slice %arg4[%dma_wait3A_100, %dma_wait3A_101] : memref<22528x128xf32, #tpu.memory_space<hbm>> -> memref<22528x128xf32, #tpu.memory_space<hbm>>
    tpu.wait_indirect_dma semaphore(%arg7 : memref<!tpu.dma_semaphore, #tpu.memory_space<semaphore_mem>>) src(%dma_wait3A_96 : memref<88x128xf32, #tpu.memory_space<vmem>>) dst(%dma_wait3A_102 : memref<22528x128xf32, #tpu.memory_space<hbm>>)
    %dma_wait3A_103 = arith.constant 2 : i32
    %dma_wait3A_104 = arith.constant 176 : i32
    %dma_wait3A_105 = arith.constant 0 : i32
    %dma_wait3A_106 = tpu.memref_slice %arg6[%dma_wait3A_104, %dma_wait3A_105] : memref<704x128xf32, #tpu.memory_space<vmem>> -> memref<88x128xf32, #tpu.memory_space<vmem>>
    %dma_wait3A_107 = arith.constant 0 : i32
    %dma_wait3A_108 = tpu.memref_slice %arg5[%dma_wait3A_103, %dma_wait3A_107] : memref<8x88xi32, #tpu.memory_space<vmem>> -> memref<1x88xi32, #tpu.memory_space<vmem>>
    %dma_wait3A_109 = tpu.memref_squeeze %dma_wait3A_108 : memref<1x88xi32, #tpu.memory_space<vmem>> -> memref<88xi32, #tpu.memory_space<vmem>>
    %dma_wait3A_110 = arith.constant 0 : i32
    %dma_wait3A_111 = arith.constant 0 : i32
    %dma_wait3A_112 = tpu.memref_slice %arg4[%dma_wait3A_110, %dma_wait3A_111] : memref<22528x128xf32, #tpu.memory_space<hbm>> -> memref<22528x128xf32, #tpu.memory_space<hbm>>
    tpu.wait_indirect_dma semaphore(%arg7 : memref<!tpu.dma_semaphore, #tpu.memory_space<semaphore_mem>>) src(%dma_wait3A_106 : memref<88x128xf32, #tpu.memory_space<vmem>>) dst(%dma_wait3A_112 : memref<22528x128xf32, #tpu.memory_space<hbm>>)
    %dma_wait3A_113 = arith.constant 3 : i32
    %dma_wait3A_114 = arith.constant 264 : i32
    %dma_wait3A_115 = arith.constant 0 : i32
    %dma_wait3A_116 = tpu.memref_slice %arg6[%dma_wait3A_114, %dma_wait3A_115] : memref<704x128xf32, #tpu.memory_space<vmem>> -> memref<88x128xf32, #tpu.memory_space<vmem>>
    %dma_wait3A_117 = arith.constant 0 : i32
    %dma_wait3A_118 = tpu.memref_slice %arg5[%dma_wait3A_113, %dma_wait3A_117] : memref<8x88xi32, #tpu.memory_space<vmem>> -> memref<1x88xi32, #tpu.memory_space<vmem>>
    %dma_wait3A_119 = tpu.memref_squeeze %dma_wait3A_118 : memref<1x88xi32, #tpu.memory_space<vmem>> -> memref<88xi32, #tpu.memory_space<vmem>>
    %dma_wait3A_120 = arith.constant 0 : i32
    %dma_wait3A_121 = arith.constant 0 : i32
    %dma_wait3A_122 = tpu.memref_slice %arg4[%dma_wait3A_120, %dma_wait3A_121] : memref<22528x128xf32, #tpu.memory_space<hbm>> -> memref<22528x128xf32, #tpu.memory_space<hbm>>
    tpu.wait_indirect_dma semaphore(%arg7 : memref<!tpu.dma_semaphore, #tpu.memory_space<semaphore_mem>>) src(%dma_wait3A_116 : memref<88x128xf32, #tpu.memory_space<vmem>>) dst(%dma_wait3A_122 : memref<22528x128xf32, #tpu.memory_space<hbm>>)
    %dma_wait3A_123 = arith.constant 4 : i32
    %dma_wait3A_124 = arith.constant 352 : i32
    %dma_wait3A_125 = arith.constant 0 : i32
    %dma_wait3A_126 = tpu.memref_slice %arg6[%dma_wait3A_124, %dma_wait3A_125] : memref<704x128xf32, #tpu.memory_space<vmem>> -> memref<88x128xf32, #tpu.memory_space<vmem>>
    %dma_wait3A_127 = arith.constant 0 : i32
    %dma_wait3A_128 = tpu.memref_slice %arg5[%dma_wait3A_123, %dma_wait3A_127] : memref<8x88xi32, #tpu.memory_space<vmem>> -> memref<1x88xi32, #tpu.memory_space<vmem>>
    %dma_wait3A_129 = tpu.memref_squeeze %dma_wait3A_128 : memref<1x88xi32, #tpu.memory_space<vmem>> -> memref<88xi32, #tpu.memory_space<vmem>>
    %dma_wait3A_130 = arith.constant 0 : i32
    %dma_wait3A_131 = arith.constant 0 : i32
    %dma_wait3A_132 = tpu.memref_slice %arg4[%dma_wait3A_130, %dma_wait3A_131] : memref<22528x128xf32, #tpu.memory_space<hbm>> -> memref<22528x128xf32, #tpu.memory_space<hbm>>
    tpu.wait_indirect_dma semaphore(%arg7 : memref<!tpu.dma_semaphore, #tpu.memory_space<semaphore_mem>>) src(%dma_wait3A_126 : memref<88x128xf32, #tpu.memory_space<vmem>>) dst(%dma_wait3A_132 : memref<22528x128xf32, #tpu.memory_space<hbm>>)
    %dma_wait3A_133 = arith.constant 5 : i32
    %dma_wait3A_134 = arith.constant 440 : i32
    %dma_wait3A_135 = arith.constant 0 : i32
    %dma_wait3A_136 = tpu.memref_slice %arg6[%dma_wait3A_134, %dma_wait3A_135] : memref<704x128xf32, #tpu.memory_space<vmem>> -> memref<88x128xf32, #tpu.memory_space<vmem>>
    %dma_wait3A_137 = arith.constant 0 : i32
    %dma_wait3A_138 = tpu.memref_slice %arg5[%dma_wait3A_133, %dma_wait3A_137] : memref<8x88xi32, #tpu.memory_space<vmem>> -> memref<1x88xi32, #tpu.memory_space<vmem>>
    %dma_wait3A_139 = tpu.memref_squeeze %dma_wait3A_138 : memref<1x88xi32, #tpu.memory_space<vmem>> -> memref<88xi32, #tpu.memory_space<vmem>>
    %dma_wait3A_140 = arith.constant 0 : i32
    %dma_wait3A_141 = arith.constant 0 : i32
    %dma_wait3A_142 = tpu.memref_slice %arg4[%dma_wait3A_140, %dma_wait3A_141] : memref<22528x128xf32, #tpu.memory_space<hbm>> -> memref<22528x128xf32, #tpu.memory_space<hbm>>
    tpu.wait_indirect_dma semaphore(%arg7 : memref<!tpu.dma_semaphore, #tpu.memory_space<semaphore_mem>>) src(%dma_wait3A_136 : memref<88x128xf32, #tpu.memory_space<vmem>>) dst(%dma_wait3A_142 : memref<22528x128xf32, #tpu.memory_space<hbm>>)
    %dma_wait3A_143 = arith.constant 6 : i32
    %dma_wait3A_144 = arith.constant 528 : i32
    %dma_wait3A_145 = arith.constant 0 : i32
    %dma_wait3A_146 = tpu.memref_slice %arg6[%dma_wait3A_144, %dma_wait3A_145] : memref<704x128xf32, #tpu.memory_space<vmem>> -> memref<88x128xf32, #tpu.memory_space<vmem>>
    %dma_wait3A_147 = arith.constant 0 : i32
    %dma_wait3A_148 = tpu.memref_slice %arg5[%dma_wait3A_143, %dma_wait3A_147] : memref<8x88xi32, #tpu.memory_space<vmem>> -> memref<1x88xi32, #tpu.memory_space<vmem>>
    %dma_wait3A_149 = tpu.memref_squeeze %dma_wait3A_148 : memref<1x88xi32, #tpu.memory_space<vmem>> -> memref<88xi32, #tpu.memory_space<vmem>>
    %dma_wait3A_150 = arith.constant 0 : i32
    %dma_wait3A_151 = arith.constant 0 : i32
    %dma_wait3A_152 = tpu.memref_slice %arg4[%dma_wait3A_150, %dma_wait3A_151] : memref<22528x128xf32, #tpu.memory_space<hbm>> -> memref<22528x128xf32, #tpu.memory_space<hbm>>
    tpu.wait_indirect_dma semaphore(%arg7 : memref<!tpu.dma_semaphore, #tpu.memory_space<semaphore_mem>>) src(%dma_wait3A_146 : memref<88x128xf32, #tpu.memory_space<vmem>>) dst(%dma_wait3A_152 : memref<22528x128xf32, #tpu.memory_space<hbm>>)
    %dma_wait3A_153 = arith.constant 7 : i32
    %dma_wait3A_154 = arith.constant 616 : i32
    %dma_wait3A_155 = arith.constant 0 : i32
    %dma_wait3A_156 = tpu.memref_slice %arg6[%dma_wait3A_154, %dma_wait3A_155] : memref<704x128xf32, #tpu.memory_space<vmem>> -> memref<88x128xf32, #tpu.memory_space<vmem>>
    %dma_wait3A_157 = arith.constant 0 : i32
    %dma_wait3A_158 = tpu.memref_slice %arg5[%dma_wait3A_153, %dma_wait3A_157] : memref<8x88xi32, #tpu.memory_space<vmem>> -> memref<1x88xi32, #tpu.memory_space<vmem>>
    %dma_wait3A_159 = tpu.memref_squeeze %dma_wait3A_158 : memref<1x88xi32, #tpu.memory_space<vmem>> -> memref<88xi32, #tpu.memory_space<vmem>>
    %dma_wait3A_160 = arith.constant 0 : i32
    %dma_wait3A_161 = arith.constant 0 : i32
    %dma_wait3A_162 = tpu.memref_slice %arg4[%dma_wait3A_160, %dma_wait3A_161] : memref<22528x128xf32, #tpu.memory_space<hbm>> -> memref<22528x128xf32, #tpu.memory_space<hbm>>
    tpu.wait_indirect_dma semaphore(%arg7 : memref<!tpu.dma_semaphore, #tpu.memory_space<semaphore_mem>>) src(%dma_wait3A_156 : memref<88x128xf32, #tpu.memory_space<vmem>>) dst(%dma_wait3A_162 : memref<22528x128xf32, #tpu.memory_space<hbm>>)
    return
  }
}

module attributes {stable_mosaic.version = 14 : i64} {
  func.func @_rank_main_body(%arg0: i32, %arg1: i32, %arg2: memref<256x1xi32, #tpu.memory_space<vmem>>, %arg3: memref<16x128xi32, #tpu.memory_space<vmem>>, %arg4: memref<256x1xi32, #tpu.memory_space<vmem>>, %arg5: memref<256x128xi32, #tpu.memory_space<vmem>>) attributes {dimension_semantics = [#tpu.dimension_semantics<arbitrary>, #tpu.dimension_semantics<arbitrary>], iteration_bounds = array<i64: 88, 11>, scalar_prefetch = 0 : i64, scratch_operands = 1 : i64, tpu.core_type = #tpu.core_type<tc>, window_params = [{transform_indices = @transform_0, window_bounds = array<i64: 256, 1>}, {transform_indices = @transform_1, window_bounds = array<i64: 16, 128>}, {transform_indices = @transform_2, window_bounds = array<i64: 256, 1>}]} {
    %eq3A = arith.constant 0 : i32
    %eq3A_0 = arith.cmpi eq, %arg1, %eq3A : i32
    %convert_element_type3A = arith.extui %eq3A_0 : i1 to i32
    %cond3A = arith.constant 0 : i32
    %cond3A_1 = arith.cmpi ne, %convert_element_type3A, %cond3A : i32
    scf.if %cond3A_1 {
      %broadcast_in_dim3A = arith.constant 0 : i32
      %broadcast_in_dim3A_27 = vector.broadcast %broadcast_in_dim3A : i32 to vector<256x128xi32>
      %swap3A = arith.constant 0 : index
      %swap3A_28 = arith.constant 0 : index
      %swap3A_29 = vector.load %arg5[%swap3A, %swap3A_28] : memref<256x128xi32, #tpu.memory_space<vmem>>, vector<256x128xi32>
      tpu.vector_store %arg5[%swap3A, %swap3A_28], %broadcast_in_dim3A_27 {strides = array<i32>} : memref<256x128xi32, #tpu.memory_space<vmem>>, vector<256x128xi32>,
    } else {
    }
    %jit3A = arith.constant 8 : i32
    %div3A = arith.divsi %arg0, %jit3A : i32
    %sign3A = arith.constant 0 : i32
    %sign3A_2 = arith.cmpi sgt, %arg0, %sign3A : i32
    %sign3A_3 = arith.extui %sign3A_2 : i1 to i32
    %sign3A_4 = arith.constant 0 : i32
    %sign3A_5 = arith.cmpi slt, %arg0, %sign3A_4 : i32
    %sign3A_6 = arith.extui %sign3A_5 : i1 to i32
    %sign3A_7 = arith.subi %sign3A_3, %sign3A_6 : i32
    %sign3A_8 = arith.constant 0 : i32
    %sign3A_9 = arith.cmpi sgt, %jit3A, %sign3A_8 : i32
    %sign3A_10 = arith.extui %sign3A_9 : i1 to i32
    %sign3A_11 = arith.constant 0 : i32
    %sign3A_12 = arith.cmpi slt, %jit3A, %sign3A_11 : i32
    %sign3A_13 = arith.extui %sign3A_12 : i1 to i32
    %sign3A_14 = arith.subi %sign3A_10, %sign3A_13 : i32
    %ne3A = arith.cmpi ne, %sign3A_7, %sign3A_14 : i32
    %rem3A = arith.remsi %arg0, %jit3A : i32
    %ne3A_15 = arith.constant 0 : i32
    %ne3A_16 = arith.cmpi ne, %rem3A, %ne3A_15 : i32
    %and3A = arith.andi %ne3A, %ne3A_16 : i1
    %sub3A = arith.constant 1 : i32
    %sub3A_17 = arith.subi %div3A, %sub3A : i32
    %select_n3A = arith.select %and3A, %sub3A_17, %div3A : i32
    %ne3A_18 = arith.cmpi ne, %arg1, %select_n3A : i32
    %convert_element_type3A_19 = arith.extui %ne3A_18 : i1 to i32
    %cond3A_20 = arith.constant 0 : i32
    %cond3A_21 = arith.cmpi ne, %convert_element_type3A_19, %cond3A_20 : i32
    scf.if %cond3A_21 {
      %lt3A = arith.cmpi slt, %arg1, %select_n3A : i32
      %jit3A_27 = arith.constant 1 : i32
      %jit3A_28 = arith.constant 0 : i32
      %select_n3A_29 = arith.select %lt3A, %jit3A_27, %jit3A_28 : i32
      %get3A = arith.constant 0 : index
      %get3A_30 = arith.constant 0 : index
      %get3A_31 = vector.load %arg3[%get3A, %get3A_30] : memref<16x128xi32, #tpu.memory_space<vmem>>, vector<16x128xi32>
      %add3A = vector.broadcast %select_n3A_29 : i32 to vector<16x128xi32>
      %add3A_32 = arith.addi %get3A_31, %add3A : vector<16x128xi32>
      %get3A_33 = arith.constant 0 : index
      %get3A_34 = arith.constant 0 : index
      %get3A_35 = vector.load %arg2[%get3A_33, %get3A_34] : memref<256x1xi32, #tpu.memory_space<vmem>>, vector<256x1xi32>
      %get3A_36 = arith.constant 0 : index
      %get3A_37 = arith.constant 0 : index
      %get3A_38 = vector.load %arg5[%get3A_36, %get3A_37] : memref<256x128xi32, #tpu.memory_space<vmem>>, vector<256x128xi32>
      %slice3A = vector.extract_strided_slice %add3A_32 {offsets = [0, 0], sizes = [1, 128], strides = [1, 1]} : vector<16x128xi32> to vector<1x128xi32>
      %gt3A = vector.broadcast %slice3A : vector<1x128xi32> to vector<256x128xi32>
      %gt3A_39 = vector.broadcast %get3A_35 : vector<256x1xi32> to vector<256x128xi32>
      %gt3A_40 = arith.cmpi sgt, %gt3A, %gt3A_39 : vector<256x128xi32>
      %convert_element_type3A_41 = arith.extui %gt3A_40 : vector<256x128xi1> to vector<256x128xi32>
      %add3A_42 = arith.addi %get3A_38, %convert_element_type3A_41 : vector<256x128xi32>
      %slice3A_43 = vector.extract_strided_slice %add3A_32 {offsets = [1, 0], sizes = [1, 128], strides = [1, 1]} : vector<16x128xi32> to vector<1x128xi32>
      %gt3A_44 = vector.broadcast %slice3A_43 : vector<1x128xi32> to vector<256x128xi32>
      %gt3A_45 = vector.broadcast %get3A_35 : vector<256x1xi32> to vector<256x128xi32>
      %gt3A_46 = arith.cmpi sgt, %gt3A_44, %gt3A_45 : vector<256x128xi32>
      %convert_element_type3A_47 = arith.extui %gt3A_46 : vector<256x128xi1> to vector<256x128xi32>
      %add3A_48 = arith.addi %add3A_42, %convert_element_type3A_47 : vector<256x128xi32>
      %slice3A_49 = vector.extract_strided_slice %add3A_32 {offsets = [2, 0], sizes = [1, 128], strides = [1, 1]} : vector<16x128xi32> to vector<1x128xi32>
      %gt3A_50 = vector.broadcast %slice3A_49 : vector<1x128xi32> to vector<256x128xi32>
      %gt3A_51 = vector.broadcast %get3A_35 : vector<256x1xi32> to vector<256x128xi32>
      %gt3A_52 = arith.cmpi sgt, %gt3A_50, %gt3A_51 : vector<256x128xi32>
      %convert_element_type3A_53 = arith.extui %gt3A_52 : vector<256x128xi1> to vector<256x128xi32>
      %add3A_54 = arith.addi %add3A_48, %convert_element_type3A_53 : vector<256x128xi32>
      %slice3A_55 = vector.extract_strided_slice %add3A_32 {offsets = [3, 0], sizes = [1, 128], strides = [1, 1]} : vector<16x128xi32> to vector<1x128xi32>
      %gt3A_56 = vector.broadcast %slice3A_55 : vector<1x128xi32> to vector<256x128xi32>
      %gt3A_57 = vector.broadcast %get3A_35 : vector<256x1xi32> to vector<256x128xi32>
      %gt3A_58 = arith.cmpi sgt, %gt3A_56, %gt3A_57 : vector<256x128xi32>
      %convert_element_type3A_59 = arith.extui %gt3A_58 : vector<256x128xi1> to vector<256x128xi32>
      %add3A_60 = arith.addi %add3A_54, %convert_element_type3A_59 : vector<256x128xi32>
      %slice3A_61 = vector.extract_strided_slice %add3A_32 {offsets = [4, 0], sizes = [1, 128], strides = [1, 1]} : vector<16x128xi32> to vector<1x128xi32>
      %gt3A_62 = vector.broadcast %slice3A_61 : vector<1x128xi32> to vector<256x128xi32>
      %gt3A_63 = vector.broadcast %get3A_35 : vector<256x1xi32> to vector<256x128xi32>
      %gt3A_64 = arith.cmpi sgt, %gt3A_62, %gt3A_63 : vector<256x128xi32>
      %convert_element_type3A_65 = arith.extui %gt3A_64 : vector<256x128xi1> to vector<256x128xi32>
      %add3A_66 = arith.addi %add3A_60, %convert_element_type3A_65 : vector<256x128xi32>
      %slice3A_67 = vector.extract_strided_slice %add3A_32 {offsets = [5, 0], sizes = [1, 128], strides = [1, 1]} : vector<16x128xi32> to vector<1x128xi32>
      %gt3A_68 = vector.broadcast %slice3A_67 : vector<1x128xi32> to vector<256x128xi32>
      %gt3A_69 = vector.broadcast %get3A_35 : vector<256x1xi32> to vector<256x128xi32>
      %gt3A_70 = arith.cmpi sgt, %gt3A_68, %gt3A_69 : vector<256x128xi32>
      %convert_element_type3A_71 = arith.extui %gt3A_70 : vector<256x128xi1> to vector<256x128xi32>
      %add3A_72 = arith.addi %add3A_66, %convert_element_type3A_71 : vector<256x128xi32>
      %slice3A_73 = vector.extract_strided_slice %add3A_32 {offsets = [6, 0], sizes = [1, 128], strides = [1, 1]} : vector<16x128xi32> to vector<1x128xi32>
      %gt3A_74 = vector.broadcast %slice3A_73 : vector<1x128xi32> to vector<256x128xi32>
      %gt3A_75 = vector.broadcast %get3A_35 : vector<256x1xi32> to vector<256x128xi32>
      %gt3A_76 = arith.cmpi sgt, %gt3A_74, %gt3A_75 : vector<256x128xi32>
      %convert_element_type3A_77 = arith.extui %gt3A_76 : vector<256x128xi1> to vector<256x128xi32>
      %add3A_78 = arith.addi %add3A_72, %convert_element_type3A_77 : vector<256x128xi32>
      %slice3A_79 = vector.extract_strided_slice %add3A_32 {offsets = [7, 0], sizes = [1, 128], strides = [1, 1]} : vector<16x128xi32> to vector<1x128xi32>
      %gt3A_80 = vector.broadcast %slice3A_79 : vector<1x128xi32> to vector<256x128xi32>
      %gt3A_81 = vector.broadcast %get3A_35 : vector<256x1xi32> to vector<256x128xi32>
      %gt3A_82 = arith.cmpi sgt, %gt3A_80, %gt3A_81 : vector<256x128xi32>
      %convert_element_type3A_83 = arith.extui %gt3A_82 : vector<256x128xi1> to vector<256x128xi32>
      %add3A_84 = arith.addi %add3A_78, %convert_element_type3A_83 : vector<256x128xi32>
      %slice3A_85 = vector.extract_strided_slice %add3A_32 {offsets = [8, 0], sizes = [1, 128], strides = [1, 1]} : vector<16x128xi32> to vector<1x128xi32>
      %gt3A_86 = vector.broadcast %slice3A_85 : vector<1x128xi32> to vector<256x128xi32>
      %gt3A_87 = vector.broadcast %get3A_35 : vector<256x1xi32> to vector<256x128xi32>
      %gt3A_88 = arith.cmpi sgt, %gt3A_86, %gt3A_87 : vector<256x128xi32>
      %convert_element_type3A_89 = arith.extui %gt3A_88 : vector<256x128xi1> to vector<256x128xi32>
      %add3A_90 = arith.addi %add3A_84, %convert_element_type3A_89 : vector<256x128xi32>
      %slice3A_91 = vector.extract_strided_slice %add3A_32 {offsets = [9, 0], sizes = [1, 128], strides = [1, 1]} : vector<16x128xi32> to vector<1x128xi32>
      %gt3A_92 = vector.broadcast %slice3A_91 : vector<1x128xi32> to vector<256x128xi32>
      %gt3A_93 = vector.broadcast %get3A_35 : vector<256x1xi32> to vector<256x128xi32>
      %gt3A_94 = arith.cmpi sgt, %gt3A_92, %gt3A_93 : vector<256x128xi32>
      %convert_element_type3A_95 = arith.extui %gt3A_94 : vector<256x128xi1> to vector<256x128xi32>
      %add3A_96 = arith.addi %add3A_90, %convert_element_type3A_95 : vector<256x128xi32>
      %slice3A_97 = vector.extract_strided_slice %add3A_32 {offsets = [10, 0], sizes = [1, 128], strides = [1, 1]} : vector<16x128xi32> to vector<1x128xi32>
      %gt3A_98 = vector.broadcast %slice3A_97 : vector<1x128xi32> to vector<256x128xi32>
      %gt3A_99 = vector.broadcast %get3A_35 : vector<256x1xi32> to vector<256x128xi32>
      %gt3A_100 = arith.cmpi sgt, %gt3A_98, %gt3A_99 : vector<256x128xi32>
      %convert_element_type3A_101 = arith.extui %gt3A_100 : vector<256x128xi1> to vector<256x128xi32>
      %add3A_102 = arith.addi %add3A_96, %convert_element_type3A_101 : vector<256x128xi32>
      %slice3A_103 = vector.extract_strided_slice %add3A_32 {offsets = [11, 0], sizes = [1, 128], strides = [1, 1]} : vector<16x128xi32> to vector<1x128xi32>
      %gt3A_104 = vector.broadcast %slice3A_103 : vector<1x128xi32> to vector<256x128xi32>
      %gt3A_105 = vector.broadcast %get3A_35 : vector<256x1xi32> to vector<256x128xi32>
      %gt3A_106 = arith.cmpi sgt, %gt3A_104, %gt3A_105 : vector<256x128xi32>
      %convert_element_type3A_107 = arith.extui %gt3A_106 : vector<256x128xi1> to vector<256x128xi32>
      %add3A_108 = arith.addi %add3A_102, %convert_element_type3A_107 : vector<256x128xi32>
      %slice3A_109 = vector.extract_strided_slice %add3A_32 {offsets = [12, 0], sizes = [1, 128], strides = [1, 1]} : vector<16x128xi32> to vector<1x128xi32>
      %gt3A_110 = vector.broadcast %slice3A_109 : vector<1x128xi32> to vector<256x128xi32>
      %gt3A_111 = vector.broadcast %get3A_35 : vector<256x1xi32> to vector<256x128xi32>
      %gt3A_112 = arith.cmpi sgt, %gt3A_110, %gt3A_111 : vector<256x128xi32>
      %convert_element_type3A_113 = arith.extui %gt3A_112 : vector<256x128xi1> to vector<256x128xi32>
      %add3A_114 = arith.addi %add3A_108, %convert_element_type3A_113 : vector<256x128xi32>
      %slice3A_115 = vector.extract_strided_slice %add3A_32 {offsets = [13, 0], sizes = [1, 128], strides = [1, 1]} : vector<16x128xi32> to vector<1x128xi32>
      %gt3A_116 = vector.broadcast %slice3A_115 : vector<1x128xi32> to vector<256x128xi32>
      %gt3A_117 = vector.broadcast %get3A_35 : vector<256x1xi32> to vector<256x128xi32>
      %gt3A_118 = arith.cmpi sgt, %gt3A_116, %gt3A_117 : vector<256x128xi32>
      %convert_element_type3A_119 = arith.extui %gt3A_118 : vector<256x128xi1> to vector<256x128xi32>
      %add3A_120 = arith.addi %add3A_114, %convert_element_type3A_119 : vector<256x128xi32>
      %slice3A_121 = vector.extract_strided_slice %add3A_32 {offsets = [14, 0], sizes = [1, 128], strides = [1, 1]} : vector<16x128xi32> to vector<1x128xi32>
      %gt3A_122 = vector.broadcast %slice3A_121 : vector<1x128xi32> to vector<256x128xi32>
      %gt3A_123 = vector.broadcast %get3A_35 : vector<256x1xi32> to vector<256x128xi32>
      %gt3A_124 = arith.cmpi sgt, %gt3A_122, %gt3A_123 : vector<256x128xi32>
      %convert_element_type3A_125 = arith.extui %gt3A_124 : vector<256x128xi1> to vector<256x128xi32>
      %add3A_126 = arith.addi %add3A_120, %convert_element_type3A_125 : vector<256x128xi32>
      %slice3A_127 = vector.extract_strided_slice %add3A_32 {offsets = [15, 0], sizes = [1, 128], strides = [1, 1]} : vector<16x128xi32> to vector<1x128xi32>
      %gt3A_128 = vector.broadcast %slice3A_127 : vector<1x128xi32> to vector<256x128xi32>
      %gt3A_129 = vector.broadcast %get3A_35 : vector<256x1xi32> to vector<256x128xi32>
      %gt3A_130 = arith.cmpi sgt, %gt3A_128, %gt3A_129 : vector<256x128xi32>
      %convert_element_type3A_131 = arith.extui %gt3A_130 : vector<256x128xi1> to vector<256x128xi32>
      %add3A_132 = arith.addi %add3A_126, %convert_element_type3A_131 : vector<256x128xi32>
      %swap3A = arith.constant 0 : index
      %swap3A_133 = arith.constant 0 : index
      %swap3A_134 = vector.load %arg5[%swap3A, %swap3A_133] : memref<256x128xi32, #tpu.memory_space<vmem>>, vector<256x128xi32>
      tpu.vector_store %arg5[%swap3A, %swap3A_133], %add3A_132 {strides = array<i32>} : memref<256x128xi32, #tpu.memory_space<vmem>>, vector<256x128xi32>,
    } else {
    }
    %eq3A_22 = arith.constant 10 : i32
    %eq3A_23 = arith.cmpi eq, %arg1, %eq3A_22 : i32
    %convert_element_type3A_24 = arith.extui %eq3A_23 : i1 to i32
    %cond3A_25 = arith.constant 0 : i32
    %cond3A_26 = arith.cmpi ne, %convert_element_type3A_24, %cond3A_25 : i32
    scf.if %cond3A_26 {
      %get3A = arith.constant 0 : index
      %get3A_27 = arith.constant 0 : index
      %get3A_28 = vector.load %arg5[%get3A, %get3A_27] : memref<256x128xi32, #tpu.memory_space<vmem>>, vector<256x128xi32>
      %reduce_sum3A = arith.constant dense<0> : vector<256xi32>
      %reduce_sum3A_29 = vector.multi_reduction <add>, %get3A_28, %reduce_sum3A [1] : vector<256x128xi32> to vector<256xi32>
      %broadcast_in_dim3A = vector.shape_cast %reduce_sum3A_29 : vector<256xi32> to vector<256x1xi32>
      %swap3A = arith.constant 0 : index
      %swap3A_30 = arith.constant 0 : index
      %swap3A_31 = vector.load %arg4[%swap3A, %swap3A_30] : memref<256x1xi32, #tpu.memory_space<vmem>>, vector<256x1xi32>
      tpu.vector_store %arg4[%swap3A, %swap3A_30], %broadcast_in_dim3A {strides = array<i32>} : memref<256x1xi32, #tpu.memory_space<vmem>>, vector<256x1xi32>,
    } else {
    }
    return
  }
  func.func @transform_0(%arg0: i32, %arg1: i32) -> (i32, i32) {
    %c0_i32 = arith.constant 0 : i32
    %c0_i32_0 = arith.constant 0 : i32
    return %arg0, %c0_i32 : i32, i32
  }
  func.func @transform_1(%arg0: i32, %arg1: i32) -> (i32, i32) {
    %c0_i32 = arith.constant 0 : i32
    %c0_i32_0 = arith.constant 0 : i32
    return %arg1, %c0_i32 : i32, i32
  }
  func.func @transform_2(%arg0: i32, %arg1: i32) -> (i32, i32) {
    %c0_i32 = arith.constant 0 : i32
    %c0_i32_0 = arith.constant 0 : i32
    return %arg0, %c0_i32 : i32, i32
  }
}

module attributes {stable_mosaic.version = 14 : i64} {
  func.func @_rank_diag_body(%arg0: i32, %arg1: memref<256x1xi32, #tpu.memory_space<vmem>>, %arg2: memref<16x128xi32, #tpu.memory_space<vmem>>, %arg3: memref<256x1xi32, #tpu.memory_space<vmem>>, %arg4: memref<256x1xi32, #tpu.memory_space<vmem>>) attributes {dimension_semantics = [#tpu.dimension_semantics<arbitrary>], iteration_bounds = array<i64: 88>, scalar_prefetch = 0 : i64, scratch_operands = 0 : i64, tpu.core_type = #tpu.core_type<tc>, window_params = [{transform_indices = @transform_0, window_bounds = array<i64: 256, 1>}, {transform_indices = @transform_1, window_bounds = array<i64: 16, 128>}, {transform_indices = @transform_2, window_bounds = array<i64: 256, 1>}, {transform_indices = @transform_3, window_bounds = array<i64: 256, 1>}]} {
    %get3A = arith.constant 0 : index
    %get3A_0 = arith.constant 0 : index
    %get3A_1 = vector.load %arg1[%get3A, %get3A_0] : memref<256x1xi32, #tpu.memory_space<vmem>>, vector<256x1xi32>
    %get3A_2 = arith.constant 0 : index
    %get3A_3 = arith.constant 0 : index
    %get3A_4 = vector.load %arg2[%get3A_2, %get3A_3] : memref<16x128xi32, #tpu.memory_space<vmem>>, vector<16x128xi32>
    %mul3A = arith.constant 256 : i32
    %mul3A_5 = arith.muli %arg0, %mul3A : i32
    %iota3A = tpu.iota {dimensions = array<i32: 0>} : vector<256x1xi32>
    %add3A = vector.broadcast %mul3A_5 : i32 to vector<256x1xi32>
    %add3A_6 = arith.addi %add3A, %iota3A : vector<256x1xi32>
    %jit3A = arith.constant 8 : i32
    %div3A = arith.divsi %arg0, %jit3A : i32
    %sign3A = arith.constant 0 : i32
    %sign3A_7 = arith.cmpi sgt, %arg0, %sign3A : i32
    %sign3A_8 = arith.extui %sign3A_7 : i1 to i32
    %sign3A_9 = arith.constant 0 : i32
    %sign3A_10 = arith.cmpi slt, %arg0, %sign3A_9 : i32
    %sign3A_11 = arith.extui %sign3A_10 : i1 to i32
    %sign3A_12 = arith.subi %sign3A_8, %sign3A_11 : i32
    %sign3A_13 = arith.constant 0 : i32
    %sign3A_14 = arith.cmpi sgt, %jit3A, %sign3A_13 : i32
    %sign3A_15 = arith.extui %sign3A_14 : i1 to i32
    %sign3A_16 = arith.constant 0 : i32
    %sign3A_17 = arith.cmpi slt, %jit3A, %sign3A_16 : i32
    %sign3A_18 = arith.extui %sign3A_17 : i1 to i32
    %sign3A_19 = arith.subi %sign3A_15, %sign3A_18 : i32
    %ne3A = arith.cmpi ne, %sign3A_12, %sign3A_19 : i32
    %rem3A = arith.remsi %arg0, %jit3A : i32
    %ne3A_20 = arith.constant 0 : i32
    %ne3A_21 = arith.cmpi ne, %rem3A, %ne3A_20 : i32
    %and3A = arith.andi %ne3A, %ne3A_21 : i1
    %sub3A = arith.constant 1 : i32
    %sub3A_22 = arith.subi %div3A, %sub3A : i32
    %select_n3A = arith.select %and3A, %sub3A_22, %div3A : i32
    %mul3A_23 = arith.constant 2048 : i32
    %mul3A_24 = arith.muli %select_n3A, %mul3A_23 : i32
    %iota3A_25 = tpu.iota {dimensions = array<i32: 1>} : vector<1x128xi32>
    %add3A_26 = vector.broadcast %mul3A_24 : i32 to vector<1x128xi32>
    %add3A_27 = arith.addi %add3A_26, %iota3A_25 : vector<1x128xi32>
    %broadcast_in_dim3A = arith.constant 0 : i32
    %broadcast_in_dim3A_28 = vector.broadcast %broadcast_in_dim3A : i32 to vector<256x128xi32>
    %add3A_29 = arith.constant 0 : i32
    %add3A_30 = vector.broadcast %add3A_29 : i32 to vector<1x128xi32>
    %add3A_31 = arith.addi %add3A_27, %add3A_30 : vector<1x128xi32>
    %lt3A = vector.broadcast %add3A_31 : vector<1x128xi32> to vector<256x128xi32>
    %lt3A_32 = vector.broadcast %add3A_6 : vector<256x1xi32> to vector<256x128xi32>
    %lt3A_33 = arith.cmpi slt, %lt3A, %lt3A_32 : vector<256x128xi32>
    %convert_element_type3A = arith.extui %lt3A_33 : vector<256x128xi1> to vector<256x128xi32>
    %slice3A = vector.extract_strided_slice %get3A_4 {offsets = [0, 0], sizes = [1, 128], strides = [1, 1]} : vector<16x128xi32> to vector<1x128xi32>
    %add3A_34 = vector.broadcast %slice3A : vector<1x128xi32> to vector<256x128xi32>
    %add3A_35 = arith.addi %add3A_34, %convert_element_type3A : vector<256x128xi32>
    %gt3A = vector.broadcast %get3A_1 : vector<256x1xi32> to vector<256x128xi32>
    %gt3A_36 = arith.cmpi sgt, %add3A_35, %gt3A : vector<256x128xi32>
    %convert_element_type3A_37 = arith.extui %gt3A_36 : vector<256x128xi1> to vector<256x128xi32>
    %add3A_38 = arith.addi %broadcast_in_dim3A_28, %convert_element_type3A_37 : vector<256x128xi32>
    %add3A_39 = arith.constant 128 : i32
    %add3A_40 = vector.broadcast %add3A_39 : i32 to vector<1x128xi32>
    %add3A_41 = arith.addi %add3A_27, %add3A_40 : vector<1x128xi32>
    %lt3A_42 = vector.broadcast %add3A_41 : vector<1x128xi32> to vector<256x128xi32>
    %lt3A_43 = vector.broadcast %add3A_6 : vector<256x1xi32> to vector<256x128xi32>
    %lt3A_44 = arith.cmpi slt, %lt3A_42, %lt3A_43 : vector<256x128xi32>
    %convert_element_type3A_45 = arith.extui %lt3A_44 : vector<256x128xi1> to vector<256x128xi32>
    %slice3A_46 = vector.extract_strided_slice %get3A_4 {offsets = [1, 0], sizes = [1, 128], strides = [1, 1]} : vector<16x128xi32> to vector<1x128xi32>
    %add3A_47 = vector.broadcast %slice3A_46 : vector<1x128xi32> to vector<256x128xi32>
    %add3A_48 = arith.addi %add3A_47, %convert_element_type3A_45 : vector<256x128xi32>
    %gt3A_49 = vector.broadcast %get3A_1 : vector<256x1xi32> to vector<256x128xi32>
    %gt3A_50 = arith.cmpi sgt, %add3A_48, %gt3A_49 : vector<256x128xi32>
    %convert_element_type3A_51 = arith.extui %gt3A_50 : vector<256x128xi1> to vector<256x128xi32>
    %add3A_52 = arith.addi %add3A_38, %convert_element_type3A_51 : vector<256x128xi32>
    %add3A_53 = arith.constant 256 : i32
    %add3A_54 = vector.broadcast %add3A_53 : i32 to vector<1x128xi32>
    %add3A_55 = arith.addi %add3A_27, %add3A_54 : vector<1x128xi32>
    %lt3A_56 = vector.broadcast %add3A_55 : vector<1x128xi32> to vector<256x128xi32>
    %lt3A_57 = vector.broadcast %add3A_6 : vector<256x1xi32> to vector<256x128xi32>
    %lt3A_58 = arith.cmpi slt, %lt3A_56, %lt3A_57 : vector<256x128xi32>
    %convert_element_type3A_59 = arith.extui %lt3A_58 : vector<256x128xi1> to vector<256x128xi32>
    %slice3A_60 = vector.extract_strided_slice %get3A_4 {offsets = [2, 0], sizes = [1, 128], strides = [1, 1]} : vector<16x128xi32> to vector<1x128xi32>
    %add3A_61 = vector.broadcast %slice3A_60 : vector<1x128xi32> to vector<256x128xi32>
    %add3A_62 = arith.addi %add3A_61, %convert_element_type3A_59 : vector<256x128xi32>
    %gt3A_63 = vector.broadcast %get3A_1 : vector<256x1xi32> to vector<256x128xi32>
    %gt3A_64 = arith.cmpi sgt, %add3A_62, %gt3A_63 : vector<256x128xi32>
    %convert_element_type3A_65 = arith.extui %gt3A_64 : vector<256x128xi1> to vector<256x128xi32>
    %add3A_66 = arith.addi %add3A_52, %convert_element_type3A_65 : vector<256x128xi32>
    %add3A_67 = arith.constant 384 : i32
    %add3A_68 = vector.broadcast %add3A_67 : i32 to vector<1x128xi32>
    %add3A_69 = arith.addi %add3A_27, %add3A_68 : vector<1x128xi32>
    %lt3A_70 = vector.broadcast %add3A_69 : vector<1x128xi32> to vector<256x128xi32>
    %lt3A_71 = vector.broadcast %add3A_6 : vector<256x1xi32> to vector<256x128xi32>
    %lt3A_72 = arith.cmpi slt, %lt3A_70, %lt3A_71 : vector<256x128xi32>
    %convert_element_type3A_73 = arith.extui %lt3A_72 : vector<256x128xi1> to vector<256x128xi32>
    %slice3A_74 = vector.extract_strided_slice %get3A_4 {offsets = [3, 0], sizes = [1, 128], strides = [1, 1]} : vector<16x128xi32> to vector<1x128xi32>
    %add3A_75 = vector.broadcast %slice3A_74 : vector<1x128xi32> to vector<256x128xi32>
    %add3A_76 = arith.addi %add3A_75, %convert_element_type3A_73 : vector<256x128xi32>
    %gt3A_77 = vector.broadcast %get3A_1 : vector<256x1xi32> to vector<256x128xi32>
    %gt3A_78 = arith.cmpi sgt, %add3A_76, %gt3A_77 : vector<256x128xi32>
    %convert_element_type3A_79 = arith.extui %gt3A_78 : vector<256x128xi1> to vector<256x128xi32>
    %add3A_80 = arith.addi %add3A_66, %convert_element_type3A_79 : vector<256x128xi32>
    %add3A_81 = arith.constant 512 : i32
    %add3A_82 = vector.broadcast %add3A_81 : i32 to vector<1x128xi32>
    %add3A_83 = arith.addi %add3A_27, %add3A_82 : vector<1x128xi32>
    %lt3A_84 = vector.broadcast %add3A_83 : vector<1x128xi32> to vector<256x128xi32>
    %lt3A_85 = vector.broadcast %add3A_6 : vector<256x1xi32> to vector<256x128xi32>
    %lt3A_86 = arith.cmpi slt, %lt3A_84, %lt3A_85 : vector<256x128xi32>
    %convert_element_type3A_87 = arith.extui %lt3A_86 : vector<256x128xi1> to vector<256x128xi32>
    %slice3A_88 = vector.extract_strided_slice %get3A_4 {offsets = [4, 0], sizes = [1, 128], strides = [1, 1]} : vector<16x128xi32> to vector<1x128xi32>
    %add3A_89 = vector.broadcast %slice3A_88 : vector<1x128xi32> to vector<256x128xi32>
    %add3A_90 = arith.addi %add3A_89, %convert_element_type3A_87 : vector<256x128xi32>
    %gt3A_91 = vector.broadcast %get3A_1 : vector<256x1xi32> to vector<256x128xi32>
    %gt3A_92 = arith.cmpi sgt, %add3A_90, %gt3A_91 : vector<256x128xi32>
    %convert_element_type3A_93 = arith.extui %gt3A_92 : vector<256x128xi1> to vector<256x128xi32>
    %add3A_94 = arith.addi %add3A_80, %convert_element_type3A_93 : vector<256x128xi32>
    %add3A_95 = arith.constant 640 : i32
    %add3A_96 = vector.broadcast %add3A_95 : i32 to vector<1x128xi32>
    %add3A_97 = arith.addi %add3A_27, %add3A_96 : vector<1x128xi32>
    %lt3A_98 = vector.broadcast %add3A_97 : vector<1x128xi32> to vector<256x128xi32>
    %lt3A_99 = vector.broadcast %add3A_6 : vector<256x1xi32> to vector<256x128xi32>
    %lt3A_100 = arith.cmpi slt, %lt3A_98, %lt3A_99 : vector<256x128xi32>
    %convert_element_type3A_101 = arith.extui %lt3A_100 : vector<256x128xi1> to vector<256x128xi32>
    %slice3A_102 = vector.extract_strided_slice %get3A_4 {offsets = [5, 0], sizes = [1, 128], strides = [1, 1]} : vector<16x128xi32> to vector<1x128xi32>
    %add3A_103 = vector.broadcast %slice3A_102 : vector<1x128xi32> to vector<256x128xi32>
    %add3A_104 = arith.addi %add3A_103, %convert_element_type3A_101 : vector<256x128xi32>
    %gt3A_105 = vector.broadcast %get3A_1 : vector<256x1xi32> to vector<256x128xi32>
    %gt3A_106 = arith.cmpi sgt, %add3A_104, %gt3A_105 : vector<256x128xi32>
    %convert_element_type3A_107 = arith.extui %gt3A_106 : vector<256x128xi1> to vector<256x128xi32>
    %add3A_108 = arith.addi %add3A_94, %convert_element_type3A_107 : vector<256x128xi32>
    %add3A_109 = arith.constant 768 : i32
    %add3A_110 = vector.broadcast %add3A_109 : i32 to vector<1x128xi32>
    %add3A_111 = arith.addi %add3A_27, %add3A_110 : vector<1x128xi32>
    %lt3A_112 = vector.broadcast %add3A_111 : vector<1x128xi32> to vector<256x128xi32>
    %lt3A_113 = vector.broadcast %add3A_6 : vector<256x1xi32> to vector<256x128xi32>
    %lt3A_114 = arith.cmpi slt, %lt3A_112, %lt3A_113 : vector<256x128xi32>
    %convert_element_type3A_115 = arith.extui %lt3A_114 : vector<256x128xi1> to vector<256x128xi32>
    %slice3A_116 = vector.extract_strided_slice %get3A_4 {offsets = [6, 0], sizes = [1, 128], strides = [1, 1]} : vector<16x128xi32> to vector<1x128xi32>
    %add3A_117 = vector.broadcast %slice3A_116 : vector<1x128xi32> to vector<256x128xi32>
    %add3A_118 = arith.addi %add3A_117, %convert_element_type3A_115 : vector<256x128xi32>
    %gt3A_119 = vector.broadcast %get3A_1 : vector<256x1xi32> to vector<256x128xi32>
    %gt3A_120 = arith.cmpi sgt, %add3A_118, %gt3A_119 : vector<256x128xi32>
    %convert_element_type3A_121 = arith.extui %gt3A_120 : vector<256x128xi1> to vector<256x128xi32>
    %add3A_122 = arith.addi %add3A_108, %convert_element_type3A_121 : vector<256x128xi32>
    %add3A_123 = arith.constant 896 : i32
    %add3A_124 = vector.broadcast %add3A_123 : i32 to vector<1x128xi32>
    %add3A_125 = arith.addi %add3A_27, %add3A_124 : vector<1x128xi32>
    %lt3A_126 = vector.broadcast %add3A_125 : vector<1x128xi32> to vector<256x128xi32>
    %lt3A_127 = vector.broadcast %add3A_6 : vector<256x1xi32> to vector<256x128xi32>
    %lt3A_128 = arith.cmpi slt, %lt3A_126, %lt3A_127 : vector<256x128xi32>
    %convert_element_type3A_129 = arith.extui %lt3A_128 : vector<256x128xi1> to vector<256x128xi32>
    %slice3A_130 = vector.extract_strided_slice %get3A_4 {offsets = [7, 0], sizes = [1, 128], strides = [1, 1]} : vector<16x128xi32> to vector<1x128xi32>
    %add3A_131 = vector.broadcast %slice3A_130 : vector<1x128xi32> to vector<256x128xi32>
    %add3A_132 = arith.addi %add3A_131, %convert_element_type3A_129 : vector<256x128xi32>
    %gt3A_133 = vector.broadcast %get3A_1 : vector<256x1xi32> to vector<256x128xi32>
    %gt3A_134 = arith.cmpi sgt, %add3A_132, %gt3A_133 : vector<256x128xi32>
    %convert_element_type3A_135 = arith.extui %gt3A_134 : vector<256x128xi1> to vector<256x128xi32>
    %add3A_136 = arith.addi %add3A_122, %convert_element_type3A_135 : vector<256x128xi32>
    %add3A_137 = arith.constant 1024 : i32
    %add3A_138 = vector.broadcast %add3A_137 : i32 to vector<1x128xi32>
    %add3A_139 = arith.addi %add3A_27, %add3A_138 : vector<1x128xi32>
    %lt3A_140 = vector.broadcast %add3A_139 : vector<1x128xi32> to vector<256x128xi32>
    %lt3A_141 = vector.broadcast %add3A_6 : vector<256x1xi32> to vector<256x128xi32>
    %lt3A_142 = arith.cmpi slt, %lt3A_140, %lt3A_141 : vector<256x128xi32>
    %convert_element_type3A_143 = arith.extui %lt3A_142 : vector<256x128xi1> to vector<256x128xi32>
    %slice3A_144 = vector.extract_strided_slice %get3A_4 {offsets = [8, 0], sizes = [1, 128], strides = [1, 1]} : vector<16x128xi32> to vector<1x128xi32>
    %add3A_145 = vector.broadcast %slice3A_144 : vector<1x128xi32> to vector<256x128xi32>
    %add3A_146 = arith.addi %add3A_145, %convert_element_type3A_143 : vector<256x128xi32>
    %gt3A_147 = vector.broadcast %get3A_1 : vector<256x1xi32> to vector<256x128xi32>
    %gt3A_148 = arith.cmpi sgt, %add3A_146, %gt3A_147 : vector<256x128xi32>
    %convert_element_type3A_149 = arith.extui %gt3A_148 : vector<256x128xi1> to vector<256x128xi32>
    %add3A_150 = arith.addi %add3A_136, %convert_element_type3A_149 : vector<256x128xi32>
    %add3A_151 = arith.constant 1152 : i32
    %add3A_152 = vector.broadcast %add3A_151 : i32 to vector<1x128xi32>
    %add3A_153 = arith.addi %add3A_27, %add3A_152 : vector<1x128xi32>
    %lt3A_154 = vector.broadcast %add3A_153 : vector<1x128xi32> to vector<256x128xi32>
    %lt3A_155 = vector.broadcast %add3A_6 : vector<256x1xi32> to vector<256x128xi32>
    %lt3A_156 = arith.cmpi slt, %lt3A_154, %lt3A_155 : vector<256x128xi32>
    %convert_element_type3A_157 = arith.extui %lt3A_156 : vector<256x128xi1> to vector<256x128xi32>
    %slice3A_158 = vector.extract_strided_slice %get3A_4 {offsets = [9, 0], sizes = [1, 128], strides = [1, 1]} : vector<16x128xi32> to vector<1x128xi32>
    %add3A_159 = vector.broadcast %slice3A_158 : vector<1x128xi32> to vector<256x128xi32>
    %add3A_160 = arith.addi %add3A_159, %convert_element_type3A_157 : vector<256x128xi32>
    %gt3A_161 = vector.broadcast %get3A_1 : vector<256x1xi32> to vector<256x128xi32>
    %gt3A_162 = arith.cmpi sgt, %add3A_160, %gt3A_161 : vector<256x128xi32>
    %convert_element_type3A_163 = arith.extui %gt3A_162 : vector<256x128xi1> to vector<256x128xi32>
    %add3A_164 = arith.addi %add3A_150, %convert_element_type3A_163 : vector<256x128xi32>
    %add3A_165 = arith.constant 1280 : i32
    %add3A_166 = vector.broadcast %add3A_165 : i32 to vector<1x128xi32>
    %add3A_167 = arith.addi %add3A_27, %add3A_166 : vector<1x128xi32>
    %lt3A_168 = vector.broadcast %add3A_167 : vector<1x128xi32> to vector<256x128xi32>
    %lt3A_169 = vector.broadcast %add3A_6 : vector<256x1xi32> to vector<256x128xi32>
    %lt3A_170 = arith.cmpi slt, %lt3A_168, %lt3A_169 : vector<256x128xi32>
    %convert_element_type3A_171 = arith.extui %lt3A_170 : vector<256x128xi1> to vector<256x128xi32>
    %slice3A_172 = vector.extract_strided_slice %get3A_4 {offsets = [10, 0], sizes = [1, 128], strides = [1, 1]} : vector<16x128xi32> to vector<1x128xi32>
    %add3A_173 = vector.broadcast %slice3A_172 : vector<1x128xi32> to vector<256x128xi32>
    %add3A_174 = arith.addi %add3A_173, %convert_element_type3A_171 : vector<256x128xi32>
    %gt3A_175 = vector.broadcast %get3A_1 : vector<256x1xi32> to vector<256x128xi32>
    %gt3A_176 = arith.cmpi sgt, %add3A_174, %gt3A_175 : vector<256x128xi32>
    %convert_element_type3A_177 = arith.extui %gt3A_176 : vector<256x128xi1> to vector<256x128xi32>
    %add3A_178 = arith.addi %add3A_164, %convert_element_type3A_177 : vector<256x128xi32>
    %add3A_179 = arith.constant 1408 : i32
    %add3A_180 = vector.broadcast %add3A_179 : i32 to vector<1x128xi32>
    %add3A_181 = arith.addi %add3A_27, %add3A_180 : vector<1x128xi32>
    %lt3A_182 = vector.broadcast %add3A_181 : vector<1x128xi32> to vector<256x128xi32>
    %lt3A_183 = vector.broadcast %add3A_6 : vector<256x1xi32> to vector<256x128xi32>
    %lt3A_184 = arith.cmpi slt, %lt3A_182, %lt3A_183 : vector<256x128xi32>
    %convert_element_type3A_185 = arith.extui %lt3A_184 : vector<256x128xi1> to vector<256x128xi32>
    %slice3A_186 = vector.extract_strided_slice %get3A_4 {offsets = [11, 0], sizes = [1, 128], strides = [1, 1]} : vector<16x128xi32> to vector<1x128xi32>
    %add3A_187 = vector.broadcast %slice3A_186 : vector<1x128xi32> to vector<256x128xi32>
    %add3A_188 = arith.addi %add3A_187, %convert_element_type3A_185 : vector<256x128xi32>
    %gt3A_189 = vector.broadcast %get3A_1 : vector<256x1xi32> to vector<256x128xi32>
    %gt3A_190 = arith.cmpi sgt, %add3A_188, %gt3A_189 : vector<256x128xi32>
    %convert_element_type3A_191 = arith.extui %gt3A_190 : vector<256x128xi1> to vector<256x128xi32>
    %add3A_192 = arith.addi %add3A_178, %convert_element_type3A_191 : vector<256x128xi32>
    %add3A_193 = arith.constant 1536 : i32
    %add3A_194 = vector.broadcast %add3A_193 : i32 to vector<1x128xi32>
    %add3A_195 = arith.addi %add3A_27, %add3A_194 : vector<1x128xi32>
    %lt3A_196 = vector.broadcast %add3A_195 : vector<1x128xi32> to vector<256x128xi32>
    %lt3A_197 = vector.broadcast %add3A_6 : vector<256x1xi32> to vector<256x128xi32>
    %lt3A_198 = arith.cmpi slt, %lt3A_196, %lt3A_197 : vector<256x128xi32>
    %convert_element_type3A_199 = arith.extui %lt3A_198 : vector<256x128xi1> to vector<256x128xi32>
    %slice3A_200 = vector.extract_strided_slice %get3A_4 {offsets = [12, 0], sizes = [1, 128], strides = [1, 1]} : vector<16x128xi32> to vector<1x128xi32>
    %add3A_201 = vector.broadcast %slice3A_200 : vector<1x128xi32> to vector<256x128xi32>
    %add3A_202 = arith.addi %add3A_201, %convert_element_type3A_199 : vector<256x128xi32>
    %gt3A_203 = vector.broadcast %get3A_1 : vector<256x1xi32> to vector<256x128xi32>
    %gt3A_204 = arith.cmpi sgt, %add3A_202, %gt3A_203 : vector<256x128xi32>
    %convert_element_type3A_205 = arith.extui %gt3A_204 : vector<256x128xi1> to vector<256x128xi32>
    %add3A_206 = arith.addi %add3A_192, %convert_element_type3A_205 : vector<256x128xi32>
    %add3A_207 = arith.constant 1664 : i32
    %add3A_208 = vector.broadcast %add3A_207 : i32 to vector<1x128xi32>
    %add3A_209 = arith.addi %add3A_27, %add3A_208 : vector<1x128xi32>
    %lt3A_210 = vector.broadcast %add3A_209 : vector<1x128xi32> to vector<256x128xi32>
    %lt3A_211 = vector.broadcast %add3A_6 : vector<256x1xi32> to vector<256x128xi32>
    %lt3A_212 = arith.cmpi slt, %lt3A_210, %lt3A_211 : vector<256x128xi32>
    %convert_element_type3A_213 = arith.extui %lt3A_212 : vector<256x128xi1> to vector<256x128xi32>
    %slice3A_214 = vector.extract_strided_slice %get3A_4 {offsets = [13, 0], sizes = [1, 128], strides = [1, 1]} : vector<16x128xi32> to vector<1x128xi32>
    %add3A_215 = vector.broadcast %slice3A_214 : vector<1x128xi32> to vector<256x128xi32>
    %add3A_216 = arith.addi %add3A_215, %convert_element_type3A_213 : vector<256x128xi32>
    %gt3A_217 = vector.broadcast %get3A_1 : vector<256x1xi32> to vector<256x128xi32>
    %gt3A_218 = arith.cmpi sgt, %add3A_216, %gt3A_217 : vector<256x128xi32>
    %convert_element_type3A_219 = arith.extui %gt3A_218 : vector<256x128xi1> to vector<256x128xi32>
    %add3A_220 = arith.addi %add3A_206, %convert_element_type3A_219 : vector<256x128xi32>
    %add3A_221 = arith.constant 1792 : i32
    %add3A_222 = vector.broadcast %add3A_221 : i32 to vector<1x128xi32>
    %add3A_223 = arith.addi %add3A_27, %add3A_222 : vector<1x128xi32>
    %lt3A_224 = vector.broadcast %add3A_223 : vector<1x128xi32> to vector<256x128xi32>
    %lt3A_225 = vector.broadcast %add3A_6 : vector<256x1xi32> to vector<256x128xi32>
    %lt3A_226 = arith.cmpi slt, %lt3A_224, %lt3A_225 : vector<256x128xi32>
    %convert_element_type3A_227 = arith.extui %lt3A_226 : vector<256x128xi1> to vector<256x128xi32>
    %slice3A_228 = vector.extract_strided_slice %get3A_4 {offsets = [14, 0], sizes = [1, 128], strides = [1, 1]} : vector<16x128xi32> to vector<1x128xi32>
    %add3A_229 = vector.broadcast %slice3A_228 : vector<1x128xi32> to vector<256x128xi32>
    %add3A_230 = arith.addi %add3A_229, %convert_element_type3A_227 : vector<256x128xi32>
    %gt3A_231 = vector.broadcast %get3A_1 : vector<256x1xi32> to vector<256x128xi32>
    %gt3A_232 = arith.cmpi sgt, %add3A_230, %gt3A_231 : vector<256x128xi32>
    %convert_element_type3A_233 = arith.extui %gt3A_232 : vector<256x128xi1> to vector<256x128xi32>
    %add3A_234 = arith.addi %add3A_220, %convert_element_type3A_233 : vector<256x128xi32>
    %add3A_235 = arith.constant 1920 : i32
    %add3A_236 = vector.broadcast %add3A_235 : i32 to vector<1x128xi32>
    %add3A_237 = arith.addi %add3A_27, %add3A_236 : vector<1x128xi32>
    %lt3A_238 = vector.broadcast %add3A_237 : vector<1x128xi32> to vector<256x128xi32>
    %lt3A_239 = vector.broadcast %add3A_6 : vector<256x1xi32> to vector<256x128xi32>
    %lt3A_240 = arith.cmpi slt, %lt3A_238, %lt3A_239 : vector<256x128xi32>
    %convert_element_type3A_241 = arith.extui %lt3A_240 : vector<256x128xi1> to vector<256x128xi32>
    %slice3A_242 = vector.extract_strided_slice %get3A_4 {offsets = [15, 0], sizes = [1, 128], strides = [1, 1]} : vector<16x128xi32> to vector<1x128xi32>
    %add3A_243 = vector.broadcast %slice3A_242 : vector<1x128xi32> to vector<256x128xi32>
    %add3A_244 = arith.addi %add3A_243, %convert_element_type3A_241 : vector<256x128xi32>
    %gt3A_245 = vector.broadcast %get3A_1 : vector<256x1xi32> to vector<256x128xi32>
    %gt3A_246 = arith.cmpi sgt, %add3A_244, %gt3A_245 : vector<256x128xi32>
    %convert_element_type3A_247 = arith.extui %gt3A_246 : vector<256x128xi1> to vector<256x128xi32>
    %add3A_248 = arith.addi %add3A_234, %convert_element_type3A_247 : vector<256x128xi32>
    %get3A_249 = arith.constant 0 : index
    %get3A_250 = arith.constant 0 : index
    %get3A_251 = vector.load %arg3[%get3A_249, %get3A_250] : memref<256x1xi32, #tpu.memory_space<vmem>>, vector<256x1xi32>
    %reduce_sum3A = arith.constant dense<0> : vector<256xi32>
    %reduce_sum3A_252 = vector.multi_reduction <add>, %add3A_248, %reduce_sum3A [1] : vector<256x128xi32> to vector<256xi32>
    %broadcast_in_dim3A_253 = vector.shape_cast %reduce_sum3A_252 : vector<256xi32> to vector<256x1xi32>
    %add3A_254 = arith.addi %get3A_251, %broadcast_in_dim3A_253 : vector<256x1xi32>
    %swap3A = arith.constant 0 : index
    %swap3A_255 = arith.constant 0 : index
    %swap3A_256 = vector.load %arg4[%swap3A, %swap3A_255] : memref<256x1xi32, #tpu.memory_space<vmem>>, vector<256x1xi32>
    tpu.vector_store %arg4[%swap3A, %swap3A_255], %add3A_254 {strides = array<i32>} : memref<256x1xi32, #tpu.memory_space<vmem>>, vector<256x1xi32>,
    return
  }
  func.func @transform_0(%arg0: i32) -> (i32, i32) {
    %c0_i32 = arith.constant 0 : i32
    %c0_i32_0 = arith.constant 0 : i32
    return %arg0, %c0_i32 : i32, i32
  }
  func.func @transform_1(%arg0: i32) -> (i32, i32) {
    %jit3A = arith.constant 8 : i32
    %div3A = arith.divsi %arg0, %jit3A : i32
    %sign3A = arith.constant 0 : i32
    %sign3A_0 = arith.cmpi sgt, %arg0, %sign3A : i32
    %sign3A_1 = arith.extui %sign3A_0 : i1 to i32
    %sign3A_2 = arith.constant 0 : i32
    %sign3A_3 = arith.cmpi slt, %arg0, %sign3A_2 : i32
    %sign3A_4 = arith.extui %sign3A_3 : i1 to i32
    %sign3A_5 = arith.subi %sign3A_1, %sign3A_4 : i32
    %sign3A_6 = arith.constant 0 : i32
    %sign3A_7 = arith.cmpi sgt, %jit3A, %sign3A_6 : i32
    %sign3A_8 = arith.extui %sign3A_7 : i1 to i32
    %sign3A_9 = arith.constant 0 : i32
    %sign3A_10 = arith.cmpi slt, %jit3A, %sign3A_9 : i32
    %sign3A_11 = arith.extui %sign3A_10 : i1 to i32
    %sign3A_12 = arith.subi %sign3A_8, %sign3A_11 : i32
    %ne3A = arith.cmpi ne, %sign3A_5, %sign3A_12 : i32
    %rem3A = arith.remsi %arg0, %jit3A : i32
    %ne3A_13 = arith.constant 0 : i32
    %ne3A_14 = arith.cmpi ne, %rem3A, %ne3A_13 : i32
    %and3A = arith.andi %ne3A, %ne3A_14 : i1
    %sub3A = arith.constant 1 : i32
    %sub3A_15 = arith.subi %div3A, %sub3A : i32
    %select_n3A = arith.select %and3A, %sub3A_15, %div3A : i32
    %c0_i32 = arith.constant 0 : i32
    %c0_i32_16 = arith.constant 0 : i32
    return %select_n3A, %c0_i32 : i32, i32
  }
  func.func @transform_2(%arg0: i32) -> (i32, i32) {
    %c0_i32 = arith.constant 0 : i32
    %c0_i32_0 = arith.constant 0 : i32
    return %arg0, %c0_i32 : i32, i32
  }
  func.func @transform_3(%arg0: i32) -> (i32, i32) {
    %c0_i32 = arith.constant 0 : i32
    %c0_i32_0 = arith.constant 0 : i32
    return %arg0, %c0_i32 : i32, i32
  }
}

module attributes {stable_mosaic.version = 14 : i64} {
  func.func @_prep_body(%arg0: i32, %arg1: memref<256x51xf32, #tpu.memory_space<vmem>>, %arg2: memref<256x1xi32, #tpu.memory_space<vmem>>, %arg3: memref<256x1xi32, #tpu.memory_space<vmem>>, %arg4: memref<150x151xf32, #tpu.memory_space<vmem>>, %arg5: memref<256x128xf32, #tpu.memory_space<vmem>>, %arg6: memref<150x1xf32, #tpu.memory_space<vmem>>, %arg7: memref<150x1xi32, #tpu.memory_space<vmem>>) attributes {dimension_semantics = [#tpu.dimension_semantics<arbitrary>], iteration_bounds = array<i64: 88>, scalar_prefetch = 0 : i64, scratch_operands = 0 : i64, tpu.core_type = #tpu.core_type<tc>, window_params = [{transform_indices = @transform_0, window_bounds = array<i64: 256, 51>}, {transform_indices = @transform_1, window_bounds = array<i64: 256, 1>}, {transform_indices = @transform_2, window_bounds = array<i64: 256, 1>}, {pipeline_mode = #tpu.pipeline_mode<synchronous>, transform_indices = @transform_3, window_bounds = array<i64: 150, 151>}, {transform_indices = @transform_4, window_bounds = array<i64: 256, 128>}, {pipeline_mode = #tpu.pipeline_mode<synchronous>, transform_indices = @transform_5, window_bounds = array<i64: 150, 1>}, {pipeline_mode = #tpu.pipeline_mode<synchronous>, transform_indices = @transform_6, window_bounds = array<i64: 150, 1>}]} {
    %get3A = arith.constant 0 : index
    %get3A_0 = arith.constant 0 : index
    %get3A_1 = vector.load %arg4[%get3A, %get3A_0] : memref<150x151xf32, #tpu.memory_space<vmem>>, vector<150x151xf32>
    %reduce_max3A = arith.constant dense<0xFF800000> : vector<150xf32>
    %reduce_max3A_2 = vector.multi_reduction <maximumf>, %get3A_1, %reduce_max3A [1] : vector<150x151xf32> to vector<150xf32>
    %max3A = arith.constant 0xFF800000 : f32
    %max3A_3 = vector.broadcast %max3A : f32 to vector<150xf32>
    %max3A_4 = arith.maximumf %max3A_3, %reduce_max3A_2 : vector<150xf32>
    %broadcast_in_dim3A = vector.shape_cast %max3A_4 : vector<150xf32> to vector<150x1xf32>
    %sub3A = vector.broadcast %broadcast_in_dim3A : vector<150x1xf32> to vector<150x151xf32>
    %sub3A_5 = arith.subf %get3A_1, %sub3A : vector<150x151xf32>
    %exp3A = math.exp %sub3A_5 : vector<150x151xf32>
    %reduce_sum3A = arith.constant dense<0.000000e+00> : vector<150xf32>
    %reduce_sum3A_6 = vector.multi_reduction <add>, %exp3A, %reduce_sum3A [1] : vector<150x151xf32> to vector<150xf32>
    %broadcast_in_dim3A_7 = vector.shape_cast %reduce_sum3A_6 : vector<150xf32> to vector<150x1xf32>
    %div3A = vector.broadcast %broadcast_in_dim3A_7 : vector<150x1xf32> to vector<150x151xf32>
    %div3A_8 = arith.divf %exp3A, %div3A : vector<150x151xf32>
    %slice3A = vector.extract_strided_slice %div3A_8 {offsets = [0, 1], sizes = [150, 150], strides = [1, 1]} : vector<150x151xf32> to vector<150x150xf32>
    %reduce_max3A_9 = arith.constant dense<0xFF800000> : vector<150xf32>
    %reduce_max3A_10 = vector.multi_reduction <maximumf>, %slice3A, %reduce_max3A_9 [1] : vector<150x150xf32> to vector<150xf32>
    %broadcast_in_dim3A_11 = vector.shape_cast %reduce_max3A_10 : vector<150xf32> to vector<150x1xf32>
    %eq3A = arith.constant 0 : i32
    %eq3A_12 = arith.cmpi eq, %arg0, %eq3A : i32
    %convert_element_type3A = arith.extui %eq3A_12 : i1 to i32
    %cond3A = arith.constant 0 : i32
    %cond3A_13 = arith.cmpi ne, %convert_element_type3A, %cond3A : i32
    scf.if %cond3A_13 {
      %iota3A_54 = tpu.iota {dimensions = array<i32: 1>} : vector<150x150xi32>
      %eq3A_55 = vector.broadcast %broadcast_in_dim3A_11 : vector<150x1xf32> to vector<150x150xf32>
      %eq3A_56 = arith.cmpf oeq, %slice3A, %eq3A_55 : vector<150x150xf32>
      %jit3A_57 = arith.constant 151 : i32
      %broadcast_in_dim3A_58 = vector.broadcast %jit3A_57 : i32 to vector<150x150xi32>
      %select_n3A_59 = arith.select %eq3A_56, %iota3A_54, %broadcast_in_dim3A_58 : vector<150x150xi1>, vector<150x150xi32>
      %reduce_min3A_60 = arith.constant dense<2147483647> : vector<150xi32>
      %reduce_min3A_61 = vector.multi_reduction <minsi>, %select_n3A_59, %reduce_min3A_60 [1] : vector<150x150xi32> to vector<150xi32>
      %broadcast_in_dim3A_62 = vector.shape_cast %reduce_min3A_61 : vector<150xi32> to vector<150x1xi32>
      %add3A_63 = arith.constant 1 : i32
      %add3A_64 = vector.broadcast %add3A_63 : i32 to vector<150x1xi32>
      %add3A_65 = arith.addi %broadcast_in_dim3A_62, %add3A_64 : vector<150x1xi32>
      %swap3A_66 = arith.constant 0 : index
      %swap3A_67 = arith.constant 0 : index
      %swap3A_68 = vector.load %arg7[%swap3A_66, %swap3A_67] : memref<150x1xi32, #tpu.memory_space<vmem>>, vector<150x1xi32>
      tpu.vector_store %arg7[%swap3A_66, %swap3A_67], %add3A_65 {strides = array<i32>} : memref<150x1xi32, #tpu.memory_space<vmem>>, vector<150x1xi32>,
      %swap3A_69 = arith.constant 0 : index
      %swap3A_70 = arith.constant 0 : index
      %swap3A_71 = vector.load %arg6[%swap3A_69, %swap3A_70] : memref<150x1xf32, #tpu.memory_space<vmem>>, vector<150x1xf32>
      tpu.vector_store %arg6[%swap3A_69, %swap3A_70], %broadcast_in_dim3A_11 {strides = array<i32>} : memref<150x1xf32, #tpu.memory_space<vmem>>, vector<150x1xf32>,
    } else {
    }
    %get3A_14 = arith.constant 0 : index
    %get3A_15 = arith.constant 0 : index
    %get3A_16 = vector.load %arg1[%get3A_14, %get3A_15] : memref<256x51xf32, #tpu.memory_space<vmem>>, vector<256x51xf32>
    %reduce_max3A_17 = arith.constant dense<0xFF800000> : vector<256xf32>
    %reduce_max3A_18 = vector.multi_reduction <maximumf>, %get3A_16, %reduce_max3A_17 [1] : vector<256x51xf32> to vector<256xf32>
    %max3A_19 = arith.constant 0xFF800000 : f32
    %max3A_20 = vector.broadcast %max3A_19 : f32 to vector<256xf32>
    %max3A_21 = arith.maximumf %max3A_20, %reduce_max3A_18 : vector<256xf32>
    %broadcast_in_dim3A_22 = vector.shape_cast %max3A_21 : vector<256xf32> to vector<256x1xf32>
    %sub3A_23 = vector.broadcast %broadcast_in_dim3A_22 : vector<256x1xf32> to vector<256x51xf32>
    %sub3A_24 = arith.subf %get3A_16, %sub3A_23 : vector<256x51xf32>
    %exp3A_25 = math.exp %sub3A_24 : vector<256x51xf32>
    %reduce_sum3A_26 = arith.constant dense<0.000000e+00> : vector<256xf32>
    %reduce_sum3A_27 = vector.multi_reduction <add>, %exp3A_25, %reduce_sum3A_26 [1] : vector<256x51xf32> to vector<256xf32>
    %broadcast_in_dim3A_28 = vector.shape_cast %reduce_sum3A_27 : vector<256xf32> to vector<256x1xf32>
    %div3A_29 = vector.broadcast %broadcast_in_dim3A_28 : vector<256x1xf32> to vector<256x51xf32>
    %div3A_30 = arith.divf %exp3A_25, %div3A_29 : vector<256x51xf32>
    %slice3A_31 = vector.extract_strided_slice %div3A_30 {offsets = [0, 1], sizes = [256, 50], strides = [1, 1]} : vector<256x51xf32> to vector<256x50xf32>
    %reduce_max3A_32 = arith.constant dense<0xFF800000> : vector<256xf32>
    %reduce_max3A_33 = vector.multi_reduction <maximumf>, %slice3A_31, %reduce_max3A_32 [1] : vector<256x50xf32> to vector<256xf32>
    %broadcast_in_dim3A_34 = vector.shape_cast %reduce_max3A_33 : vector<256xf32> to vector<256x1xf32>
    %iota3A = tpu.iota {dimensions = array<i32: 1>} : vector<256x50xi32>
    %eq3A_35 = vector.broadcast %broadcast_in_dim3A_34 : vector<256x1xf32> to vector<256x50xf32>
    %eq3A_36 = arith.cmpf oeq, %slice3A_31, %eq3A_35 : vector<256x50xf32>
    %jit3A = arith.constant 51 : i32
    %broadcast_in_dim3A_37 = vector.broadcast %jit3A : i32 to vector<256x50xi32>
    %select_n3A = arith.select %eq3A_36, %iota3A, %broadcast_in_dim3A_37 : vector<256x50xi1>, vector<256x50xi32>
    %reduce_min3A = arith.constant dense<2147483647> : vector<256xi32>
    %reduce_min3A_38 = vector.multi_reduction <minsi>, %select_n3A, %reduce_min3A [1] : vector<256x50xi32> to vector<256xi32>
    %broadcast_in_dim3A_39 = vector.shape_cast %reduce_min3A_38 : vector<256xi32> to vector<256x1xi32>
    %add3A = arith.constant 1 : i32
    %add3A_40 = vector.broadcast %add3A : i32 to vector<256x1xi32>
    %add3A_41 = arith.addi %broadcast_in_dim3A_39, %add3A_40 : vector<256x1xi32>
    %get3A_42 = arith.constant 0 : index
    %get3A_43 = arith.constant 0 : index
    %get3A_44 = vector.load %arg2[%get3A_42, %get3A_43] : memref<256x1xi32, #tpu.memory_space<vmem>>, vector<256x1xi32>
    %bitcast_convert_type3A = tpu.bitcast %get3A_44 : vector<256x1xi32> -> vector<256x1xf32>
    %get3A_45 = arith.constant 0 : index
    %get3A_46 = arith.constant 0 : index
    %get3A_47 = vector.load %arg3[%get3A_45, %get3A_46] : memref<256x1xi32, #tpu.memory_space<vmem>>, vector<256x1xi32>
    %bitcast_convert_type3A_48 = tpu.bitcast %get3A_47 : vector<256x1xi32> -> vector<256x1xf32>
    %bitcast_convert_type3A_49 = tpu.bitcast %add3A_41 : vector<256x1xi32> -> vector<256x1xf32>
    %broadcast_in_dim3A_50 = arith.constant 0.000000e+00 : f32
    %broadcast_in_dim3A_51 = vector.broadcast %broadcast_in_dim3A_50 : f32 to vector<256x74xf32>
    %concatenate3A = tpu.concatenate %div3A_30, %bitcast_convert_type3A, %bitcast_convert_type3A_48, %bitcast_convert_type3A_49, %broadcast_in_dim3A_51 in 1 : vector<256x51xf32>, vector<256x1xf32>, vector<256x1xf32>, vector<256x1xf32>, vector<256x74xf32> -> vector<256x128xf32>
    %swap3A = arith.constant 0 : index
    %swap3A_52 = arith.constant 0 : index
    %swap3A_53 = vector.load %arg5[%swap3A, %swap3A_52] : memref<256x128xf32, #tpu.memory_space<vmem>>, vector<256x128xf32>
    tpu.vector_store %arg5[%swap3A, %swap3A_52], %concatenate3A {strides = array<i32>} : memref<256x128xf32, #tpu.memory_space<vmem>>, vector<256x128xf32>,
    return
  }
  func.func @transform_0(%arg0: i32) -> (i32, i32) {
    %c0_i32 = arith.constant 0 : i32
    %c0_i32_0 = arith.constant 0 : i32
    return %arg0, %c0_i32 : i32, i32
  }
  func.func @transform_1(%arg0: i32) -> (i32, i32) {
    %c0_i32 = arith.constant 0 : i32
    %c0_i32_0 = arith.constant 0 : i32
    return %arg0, %c0_i32 : i32, i32
  }
  func.func @transform_2(%arg0: i32) -> (i32, i32) {
    %c0_i32 = arith.constant 0 : i32
    %c0_i32_0 = arith.constant 0 : i32
    return %arg0, %c0_i32 : i32, i32
  }
  func.func @transform_3(%arg0: i32) -> (i32, i32) {
    %c0_i32 = arith.constant 0 : i32
    %c0_i32_0 = arith.constant 0 : i32
    %c0_i32_1 = arith.constant 0 : i32
    return %c0_i32, %c0_i32_0 : i32, i32
  }
  func.func @transform_4(%arg0: i32) -> (i32, i32) {
    %c0_i32 = arith.constant 0 : i32
    %c0_i32_0 = arith.constant 0 : i32
    return %arg0, %c0_i32 : i32, i32
  }
  func.func @transform_5(%arg0: i32) -> (i32, i32) {
    %c0_i32 = arith.constant 0 : i32
    %c0_i32_0 = arith.constant 0 : i32
    %c0_i32_1 = arith.constant 0 : i32
    return %c0_i32, %c0_i32_0 : i32, i32
  }
  func.func @transform_6(%arg0: i32) -> (i32, i32) {
    %c0_i32 = arith.constant 0 : i32
    %c0_i32_0 = arith.constant 0 : i32
    %c0_i32_1 = arith.constant 0 : i32
    return %c0_i32, %c0_i32_0 : i32, i32
  }
}

</mosaic_0001>

<sc_bundles>
// kernel: kernel.6.cloned.1.call-start
scs
__scs_entry_jumppad:
0x0: {  	(pc) =	sbr.rel $0x88, $3  }
0x1: {  	(tag) =	ssettag $0x0;
	lr =	simm.s32 $0x1  }
0x2: {  	[smem:$0x3F9E] =	sst lr;
	_ =	strace $0xD0000000  }
0x3: {  	_ = 	snop  }
0x4: {  	_ = 	snop  }
0x5: {  	_ = 	snop  }
0x6: {  	_ = 	snop  }
0x7: {  	_ = 	snop  }
__scs_overlays_trampoline_lowered:
0x8: {  	[smem:$0x3FAD] =	sst s0  }
0x9: {  	[smem:$0x3FAE] =	sst s1  }
0xa: {  	[smem:$0x3FAF] =	sst s2  }
0xb: {  	[smem:$0x3FB0] =	sst s3  }
0xc: {  	[smem:$0x3FB1] =	sst s4  }
0xd: {  	[smem:$0x3FB2] =	sst s5  }
0xe: {  	[smem:$0x3FB3] =	sst s6  }
0xf: {  	[smem:$0x3FB4] =	sst s7  }
0x10: {  	[smem:$0x3FB5] =	sst s8  }
0x11: {  	[smem:$0x3FB6] =	sst s9;
	s0 =	simm.s32 @!p0 $0x0  }
0x12: {  	s1 =	sld [smem:$0x3F9C];
	s0 =	simm.s32 @p0 $0x1  }
0x13: {  	[smem:$0x3FB7] =	sst s0;
	s0 =	simm.s32 @!p1 $0x0  }
0x14: {  	s2 =	sld [smem:$0x3F9B];
	s0 =	simm.s32 @p1 $0x1  }
0x15: {  	[smem:$0x3FB8] =	sst s0;
	s0 =	simm.s32 @!p2 $0x0  }
0x16: {  	s3 =	sld [smem:$0x3FDB];
	s0 =	simm.s32 @p2 $0x1  }
0x17: {  	s4 =	simm.s32 $0x1BF5;
	[smem:$0x3FBA] =	sst s0  }
0x18: {  	s0 =	sld [smem:$0x3F9D];
	_ =	swait.ge [sflag:s4], $0x0  }
0x19: {  	s7 =	sld [smem:$0x3F9E]  }
0x1a: {  	s8 =	sadd.s32 $0xFFFFE003, lr  }
0x1b: {  	s9 =	sadd.s32 $0xFFFFFEF7, lr;
	s5 =	simm.s32 $0xFFFFFFFF;
	p2 =	slt.u32 s8, $0xFFFFF086  }
0x1c: {  	p1 =	slt.u32 s9, $0xF7A;
	s5 =	simm.s32 @!p2 $0x0  }
0x1d: {  	s5 =	simm.s32 @p1 $0x1;
	p0 =	seq.s32 s7, s2  }
0x1e: {  	s7 =	smul.u32 @!p0 $0xF7A, s2;
	p2 =	seq.s32 @!p0 s5, $0x0  }
0x1f: {  	s9 =	smul.u32 $0xF7A, s1;
	s8 =	simm.s32 @!p0 $0x1BF5;
	p2 =	por !p2, p0  }
0x20: {  	[sflag:s8] =	ssyncset.s32 @!p0 $0xFFFFF086;
	s6 =	sadd.s32 @!p0 s3, s7;
	s7 =	simm.s32 @!p0 $0x108  }
0x21: {  	s3 =	sadd.s32 s3, s9;
	s6 =	sadd.s32 @!p0 $0x88, s6;
	s7 =	simm.s32 @p2 $0x1082  }
0x22: {  	[simem:s7], [sflag:s8] =	dma.local @!p0 [hbm:s6], $0xF7A  }
0x23: {  	s9 =	sor.u32 $0xD0000000, s2;
	s6 =	simm.s32 $0x108;
	_ =	swait.ge @!p0 [sflag:s8], $0x0  }
0x24: {  	s3 =	sadd.s32 $0x88, s3;
	s6 =	simm.s32 @!p1 $0x1082;
	[sflag:s4] =	ssyncset.s32 $0xFFFFF086  }
0x25: {  	[simem:s6], [sflag:s4] =	dma.local [hbm:s3], $0xF7A  }
0x26: {  	[smem:$0x3F9E] =	sst s1;
	(tag) =	ssettag s2;
	_ =	strace s9  }
0x27: {  	s1 =	sld [smem:$0x3FAE]  }
0x28: {  	s2 =	sld [smem:$0x3FAF]  }
0x29: {  	s4 =	sld [smem:$0x3FB1]  }
0x2a: {  	p0 =	seq.s32 s5, $0x0;
	s5 =	sld [smem:$0x3FB2]  }
0x2b: {  	s6 =	sld [smem:$0x3FB3]  }
0x2c: {  	s7 =	sld [smem:$0x3FB4]  }
0x2d: {  	s3 =	simm.s32 $0x108;
	s8 =	sld [smem:$0x3FB5]  }
0x2e: {  	s3 =	simm.s32 @!p0 $0x1082;
	s9 =	sld [smem:$0x3FB6]  }
0x2f: {  	lr =	sadd.s32 s0, s3;
	s0 =	sld [smem:$0x3FAD]  }
0x30: {  	s3 =	sld [smem:$0x3FB0]  }
0x31: {  	[smem:$0x3FB9] =	sst s10  }
0x32: {  	s10 =	sld [smem:$0x3FB7];
	_ =	sdelay $0x3  }
0x33: {  	p0 =	seq.s32 s10, $0x1;
	s10 =	sld [smem:$0x3FB9];
	_ =	sdelay $0x3  }
0x34: {  	[smem:$0x3FB9] =	sst s10  }
0x35: {  	s10 =	sld [smem:$0x3FB8];
	_ =	sdelay $0x3  }
0x36: {  	p1 =	seq.s32 s10, $0x1;
	s10 =	sld [smem:$0x3FB9];
	_ =	sdelay $0x3  }
0x37: {  	[smem:$0x3FB9] =	sst s10  }
0x38: {  	s10 =	sld [smem:$0x3FBA]  }
0x39: {  	_ = 	snop;
	(pc) =	sbr.ind lr, $3  }
0x3a: {  	_ = 	snop  }
0x3b: {  	_ = 	snop  }
0x3c: {  	p2 =	seq.s32 s10, $0x1;
	s10 =	sld [smem:$0x3FB9]  }
0x3d: {  	_ =	shalt  }
0x3e: {  	_ =	shalt  }
0x3f: {  	_ =	shalt  }
0x40: {  	_ =	shalt  }
0x41: {  	_ =	shalt  }
0x42: {  	_ =	shalt  }
0x43: {  	_ =	shalt  }
0x44: {  	_ =	shalt  }
0x45: {  	_ =	shalt  }
0x46: {  	_ =	shalt  }
0x47: {  	_ =	shalt  }
0x48: {  	_ =	shalt  }
0x49: {  	_ =	shalt  }
0x4a: {  	_ =	shalt  }
0x4b: {  	_ =	shalt  }
0x4c: {  	_ =	shalt  }
0x4d: {  	_ =	shalt  }
0x4e: {  	_ =	shalt  }
0x4f: {  	_ =	shalt  }
0x50: {  	_ =	shalt  }
0x51: {  	_ =	shalt  }
0x52: {  	_ =	shalt  }
0x53: {  	_ =	shalt  }
0x54: {  	_ =	shalt  }
0x55: {  	_ =	shalt  }
0x56: {  	_ =	shalt  }
0x57: {  	_ =	shalt  }
0x58: {  	_ =	shalt  }
0x59: {  	_ =	shalt  }
0x5a: {  	_ =	shalt  }
0x5b: {  	_ =	shalt  }
0x5c: {  	_ =	shalt  }
0x5d: {  	_ =	shalt  }
0x5e: {  	_ =	shalt  }
0x5f: {  	_ =	shalt  }
0x60: {  	_ =	shalt  }
0x61: {  	_ =	shalt  }
0x62: {  	_ =	shalt  }
0x63: {  	_ =	shalt  }
0x64: {  	_ =	shalt  }
0x65: {  	_ =	shalt  }
0x66: {  	_ =	shalt  }
0x67: {  	_ =	shalt  }
0x68: {  	_ =	shalt  }
0x69: {  	_ =	shalt  }
0x6a: {  	_ =	shalt  }
0x6b: {  	_ =	shalt  }
0x6c: {  	_ =	shalt  }
0x6d: {  	_ =	shalt  }
0x6e: {  	_ =	shalt  }
0x6f: {  	_ =	shalt  }
0x70: {  	_ =	shalt  }
0x71: {  	_ =	shalt  }
0x72: {  	_ =	shalt  }
0x73: {  	_ =	shalt  }
0x74: {  	_ =	shalt  }
0x75: {  	_ =	shalt  }
0x76: {  	_ =	shalt  }
0x77: {  	_ =	shalt  }
0x78: {  	_ =	shalt  }
0x79: {  	_ =	shalt  }
0x7a: {  	_ =	shalt  }
0x7b: {  	_ =	shalt  }
0x7c: {  	_ =	shalt  }
0x7d: {  	_ =	shalt  }
0x7e: {  	_ =	shalt  }
0x7f: {  	_ =	shalt  }
0x80: {  	_ =	shalt  }
0x81: {  	_ =	shalt  }
0x82: {  	_ =	shalt  }
0x83: {  	_ =	shalt  }
0x84: {  	_ =	shalt  }
0x85: {  	_ =	shalt  }
0x86: {  	_ =	shalt  }
0x87: {  	_ =	shalt  }
.Lfunc_end0:
.L_simem_size_0:
called_computation_lowered:
.L_overlay_start_0:
0x88: {  	s2 =	sld [smem:$0x3FD9]  }
0x89: {  	s3 =	sld [smem:$0x3FFE];
	_ =	sdelay $0x1  }
0x8a: {  	s1 =	srdreg.scid  }
0x8b: {  	s0 =	sand.u32 $0x1, s1  }
0x8c: {  	s14 =	sshll.u32 s0, $0xA;
	s2 =	sadd.s32 s3, s2  }
0x8d: {  	s2 =	sadd.s32 s2, s14  }
0x8e: {  	[smem:$0x3FC5] =	sst s2  }
0x8f: {  	_ = 	snop  }
0x90: {  	s2 =	sld [smem:$0x3FD0];
	_ =	sdelay $0x2  }
0x91: {  	s15 =	simm.s32 $0xA;
	s4 =	simm.s32 $0x10  }
0x92: {  	[smem:s4], [sflag:s15] =	dma.local [hbm:s2], $0x1  }
0x93: {  	_ =	swait.eq [sflag:s15], $0x1  }
0x94: {  	[sflag:s15] =	ssyncset.done $0x0  }
0x95: {  	[sflag:s15] =	ssyncadd.s32 $0xFFFFFFFF  }
0x96: {  	s16 =	sld [smem:$0x12];
	(tm) =	ssettm $0x1  }
0x97: {  	s17 =	sld [smem:$0x3FFB];
	_ =	sdelay $0x3  }
0x98: {  	_ =	strace s17  }
0x99: {  	s3 =	sld [smem:$0x3FFC];
	_ =	sdelay $0x3  }
0x9a: {  	_ =	strace s3  }
0x9b: {  	s3 =	sld [smem:$0x3FFD];
	_ =	sdelay $0x3  }
0x9c: {  	_ =	strace s3  }
0x9d: {  	_ =	strace $0x8FFFFFFF  }
0x9e: {  	s18 =	sld [smem:$0x3FDB];
	_ =	sdelay $0x1  }
0x9f: {  	s19 =	simm.s32 $_scs_section_size  }
0xa0: {  	s5 =	simm.s32 $_size__tile_overlayer_lowered;
	s6 =	simm.s32 $_tile_overlayer_lowered  }
0xa1: {  	s22 =	simm.s32 $0x1BFF;
	s21 =	sshll.u32 s6, $0x1;
	s3 =	sadd.s32 s19, s18  }
0xa2: {  	s7 =	simm.s32 $0x0;
	s20 =	sshll.u32 s5, $0x1;
	s5 =	sadd.s32 s21, s3  }
0xa3: {  	[timem:s7], [sflag:s22] =	dma.local [hbm:s5], s20  }
0xa4: {  	_ =	swait.ge [sflag:s22], s20  }
0xa5: {  	s4 =	ssub.s32 $0x0, s20;
	[sflag:s22] =	ssyncset.done $0x0  }
0xa6: {  	[sflag:s22] =	ssyncadd.s32 s4;
	_ =	sdelay $0x1  }
0xa7: {  	s23 =	simm.s32 $0x1B8B  }
0xa8: {  	_ =	swait.ge [sflag:s23], $0x1  }
0xa9: {  	[sflag:s23] =	ssyncset.done $0x0  }
0xaa: {  	s25 =	simm.s32 $0x1B8E;
	s24 =	sld [smem:$0x3FFE];
	[sflag:s23] =	ssyncadd.s32 $0xFFFFFFFF  }
0xab: {  	s26 =	simm.s32 $execute0_lowered;
	[smem:$0x3FD2] =	sst s25  }
0xac: {  	s5 =	sshll.u32 s26, $0x1;
	_ =	strace $0x80000046;
	[dreg:$0x1] =	wrdreg $0xFFFFFFFF  }
0xad: {  	s28 =	simm.s32 $_size_execute0_lowered;
	s3 =	sadd.s32 s3, s5;
	[dreg:$0x0] =	wrdreg $0x0  }
0xae: {  	s5 =	sshll.u32 s28, $0x1;
	[dreg:$0x2] =	wrdreg s3  }
0xaf: {  	[dreg:$0x3] =	wrdreg s5  }
0xb0: {  	[dreg:$0x4] =	wrdreg $0xC0  }
0xb1: {  	_ =	task [dreg:s7], $0x5FFFF  }
0xb2: {  	[dreg:$0x1] =	wrdreg $0xFFFFFFFF  }
0xb3: {  	[dreg:$0x0] =	wrdreg $0x60  }
0xb4: {  	[dreg:$0x2] =	wrdreg s24  }
0xb5: {  	[dreg:$0x3] =	wrdreg s16  }
0xb6: {  	[dreg:$0x4] =	wrdreg $0x9  }
0xb7: {  	_ =	task.clear_ibuf [dreg:s7], $0x5FFFF;
	_ =	strace $0x90000046  }
0xb8: {  	s29 =	simm.s32 $0x9;
	_ =	strace $0x80000048  }
0xb9: {  	_ =	swait.ge [sflag:s29], $0x1  }
0xba: {  	[sflag:s29] =	ssyncadd.s32 $0xFFFFFFFF  }
0xbb: {  	_ =	strace $0x90000048  }
0xbc: {  	_ =	sfence  }
0xbd: {  	s30 =	sld [smem:$0x0];
	_ =	sdelay $0x2  }
0xbe: {  	s31 =	sshll.u32 s1, $0xD;
	s1 =	sshrl.u32 s1, $0x2  }
0xbf: {  	s3 =	sand.u32 $0x4000, s31;
	s1 =	sadd.s32 s1, s30  }
0xc0: {  	s0 =	sor.u32 s3, s0;
	s1 =	sshll.u32 s1, $0x11  }
0xc1: {  	s0 =	sor.u32 s1, s0  }
0xc2: {  	s0 =	sadd.s32 $0x8F2B, s0  }
0xc3: {  	[sflag:s0] =	ssyncadd.remote.s32 $0x1  }
0xc4: {  	_ =	sfence.sel $0xFFFF  }
0xc5: {  	[dreg:$0x0] =	wrdreg $0xFFFFFFFF;
	(pc) =	sbr.abs _section_cstart, $3  }
0xc6: {  	[dreg:$0x1] =	wrdreg $0xFFFFFFFF  }
0xc7: {  	_ =	task.clear_ibuf [dreg:s7], $0x2FFFF;
	_ =	strace $0x9FFFFFFF  }
0xc8: {  	(tm) =	ssettm $0x7FFFFFFF  }
0xc9: {  	_ =	shalt  }
tec
execute0_lowered:
.L_overlay_start_1:
0x0: {  	(tag) =	ssettag $0x1  }
0x1: {  	s7 =	rddreg [dreg:$0x0]  }
0x2: {  	s1 =	srdreg.scid;
	s0 =	stileid.u32  }
0x3: {  	s3 =	rddreg [dreg:$0x1];
	s24 =	sand.u32 $0x1, s1;
	s4 =	sshll.u32 s0, $0x1  }
0x4: {  	s2 =	simm.s32 $0x0;
	s1 =	rddreg [dreg:$0x2];
	s5 =	sor.u32 s24, s4  }
0x5: {  	[smem:$0x7FF] =	sst s2;
	s4 =	sshll.u32 s5, $0x7  }
0x6: {  	_ =	strace $0x80000047;
	s3 =	sadd.s32 s3, s4;
	s4 =	simm.s32 $0x2  }
0x7: {  	[tilespmem:s2], [sflag:$0x2] =	stream.linear.gather [hbm4b:s3+s2], $0x400, $0x38;
	[tilespmem:$0x16400] =	vst v63  }
0x8: {  	s5 =	smul.u32 $0x2C00, s5;
	_ =	swait.ge [sflag:s4], $0x400  }
0x9: {  	[sflag:s4] =	ssyncset.done $0x0  }
0xa: {  	s6 =	simm.s32 $0x400;
	s5 =	sadd.s32 s7, s5;
	[sflag:s4] =	ssyncadd.s32 $0xFFFFFC00  }
0xb: {  	[tilespmem:s6], [sflag:$0x2] =	stream.linear.gather [hbm4b:s5+s2], $0x16000, $0x38;
	[tilespmem:$0x16400] =	vst v63  }
0xc: {  	_ =	swait.ge [sflag:s4], $0x16000  }
0xd: {  	[sflag:s4] =	ssyncset.done $0x0  }
0xe: {  	s8 =	simm.s32 $0x58;
	s7 =	sadd.s32 $0x58000, s7;
	[sflag:s4] =	ssyncadd.s32 $0xFFFEA000  }
0xf: {  	[hbm4b:s7+s8] =	stream.indirect.scatter [tilespmem:s6], [sflag:$0x1], $0x80, s2, s8, $0xb8;
	[tilespmem:$0x16400] =	vst v63  }
0x10: {  	s9 =	simm.s32 $0x80;
	s10 =	simm.s32 $0x3000  }
0x11: {  	[hbm4b:s7+s8] =	stream.indirect.scatter [tilespmem:s10], [sflag:$0x1], $0x80, s9, s8, $0xb8;
	[tilespmem:$0x16400] =	vst v63  }
0x12: {  	s11 =	simm.s32 $0x100;
	s12 =	simm.s32 $0x5C00  }
0x13: {  	[hbm4b:s7+s8] =	stream.indirect.scatter [tilespmem:s12], [sflag:$0x1], $0x80, s11, s8, $0xb8;
	[tilespmem:$0x16400] =	vst v63  }
0x14: {  	s13 =	simm.s32 $0x180;
	s14 =	simm.s32 $0x8800  }
0x15: {  	[hbm4b:s7+s8] =	stream.indirect.scatter [tilespmem:s14], [sflag:$0x1], $0x80, s13, s8, $0xb8;
	[tilespmem:$0x16400] =	vst v63  }
0x16: {  	s15 =	simm.s32 $0x200;
	s16 =	simm.s32 $0xB400  }
0x17: {  	[hbm4b:s7+s8] =	stream.indirect.scatter [tilespmem:s16], [sflag:$0x1], $0x80, s15, s8, $0xb8;
	[tilespmem:$0x16400] =	vst v63  }
0x18: {  	s17 =	simm.s32 $0x280;
	s18 =	simm.s32 $0xE000  }
0x19: {  	[hbm4b:s7+s8] =	stream.indirect.scatter [tilespmem:s18], [sflag:$0x1], $0x80, s17, s8, $0xb8;
	[tilespmem:$0x16400] =	vst v63  }
0x1a: {  	s19 =	simm.s32 $0x300;
	s20 =	simm.s32 $0x10C00  }
0x1b: {  	[hbm4b:s7+s8] =	stream.indirect.scatter [tilespmem:s20], [sflag:$0x1], $0x80, s19, s8, $0xb8;
	[tilespmem:$0x16400] =	vst v63  }
0x1c: {  	s21 =	simm.s32 $0x380;
	s23 =	simm.s32 $0x13800;
	s22 =	simm.s32 $0x1  }
0x1d: {  	[hbm4b:s7+s8] =	stream.indirect.scatter [tilespmem:s23], [sflag:$0x1], $0x80, s21, s8, $0xb8;
	[tilespmem:$0x16400] =	vst v63  }
0x1e: {  	_ =	swait.ge [sflag:s22], $0x2C00  }
0x1f: {  	[sflag:s22] =	ssyncset.done $0x0  }
0x20: {  	[sflag:s22] =	ssyncadd.s32 $0xFFFFD400  }
0x21: {  	_ =	swait.ge [sflag:s22], $0x2C00  }
0x22: {  	[sflag:s22] =	ssyncset.done $0x0  }
0x23: {  	[sflag:s22] =	ssyncadd.s32 $0xFFFFD400  }
0x24: {  	_ =	swait.ge [sflag:s22], $0x2C00  }
0x25: {  	[sflag:s22] =	ssyncset.done $0x0  }
0x26: {  	[sflag:s22] =	ssyncadd.s32 $0xFFFFD400  }
0x27: {  	_ =	swait.ge [sflag:s22], $0x2C00  }
0x28: {  	[sflag:s22] =	ssyncset.done $0x0  }
0x29: {  	[sflag:s22] =	ssyncadd.s32 $0xFFFFD400  }
0x2a: {  	_ =	swait.ge [sflag:s22], $0x2C00  }
0x2b: {  	s24 =	ssub.s32 $0x2, s24;
	[sflag:s22] =	ssyncset.done $0x0  }
0x2c: {  	s25 =	sshrl.u32 s24, $0x1;
	[sflag:s22] =	ssyncadd.s32 $0xFFFFD400  }
0x2d: {  	s24 =	ssub.s32 s24, s25;
	_ =	swait.ge [sflag:s22], $0x2C00  }
0x2e: {  	s24 =	smax.u32 s24, $0x1;
	[sflag:s22] =	ssyncset.done $0x0  }
0x2f: {  	p0 =	sne.s32 s24, $0x1;
	[sflag:s22] =	ssyncadd.s32 $0xFFFFD400  }
.Ltmp0:
0x30: {  	_ =	swait.ge [sflag:s22], $0x2C00;
	(pc) =	sbr.rel @!p0 .LBB2_2-.Ltmp0, $4  }
0x31: {  	[sflag:s22] =	ssyncset.done $0x0  }
0x32: {  	[sflag:s22] =	ssyncadd.s32 $0xFFFFD400  }
0x33: {  	_ =	swait.ge [sflag:s22], $0x2C00  }
0x34: {  	s24 =	sadd.s32 $0xFFFFFFFF, s24;
	[sflag:s22] =	ssyncset.done $0x0  }
.LBB2_1:
0x35: {  	p0 =	sne.s32 s24, $0x1;
	s24 =	sadd.s32 $0xFFFFFFFF, s24;
	[sflag:s22] =	ssyncadd.s32 $0xFFFFD400  }
0x36: {  	[tilespmem:s2], [sflag:$0x2] =	stream.linear.gather [hbm4b:s3+s2], $0x400, $0x38;
	[tilespmem:$0x16400] =	vst v63  }
0x37: {  	_ =	swait.ge [sflag:s4], $0x400  }
0x38: {  	[sflag:s4] =	ssyncset.done $0x0  }
0x39: {  	[sflag:s4] =	ssyncadd.s32 $0xFFFFFC00  }
0x3a: {  	[tilespmem:s6], [sflag:$0x2] =	stream.linear.gather [hbm4b:s5+s2], $0x16000, $0x38;
	[tilespmem:$0x16400] =	vst v63  }
0x3b: {  	_ =	swait.ge [sflag:s4], $0x16000  }
0x3c: {  	[sflag:s4] =	ssyncset.done $0x0  }
0x3d: {  	[sflag:s4] =	ssyncadd.s32 $0xFFFEA000  }
0x3e: {  	[hbm4b:s7+s8] =	stream.indirect.scatter [tilespmem:s6], [sflag:$0x1], $0x80, s2, s8, $0xb8;
	[tilespmem:$0x16400] =	vst v63  }
0x3f: {  	_ = 	snop  }
0x40: {  	[hbm4b:s7+s8] =	stream.indirect.scatter [tilespmem:s10], [sflag:$0x1], $0x80, s9, s8, $0xb8;
	[tilespmem:$0x16400] =	vst v63  }
0x41: {  	_ = 	snop  }
0x42: {  	[hbm4b:s7+s8] =	stream.indirect.scatter [tilespmem:s12], [sflag:$0x1], $0x80, s11, s8, $0xb8;
	[tilespmem:$0x16400] =	vst v63  }
0x43: {  	_ = 	snop  }
0x44: {  	[hbm4b:s7+s8] =	stream.indirect.scatter [tilespmem:s14], [sflag:$0x1], $0x80, s13, s8, $0xb8;
	[tilespmem:$0x16400] =	vst v63  }
0x45: {  	_ = 	snop  }
0x46: {  	[hbm4b:s7+s8] =	stream.indirect.scatter [tilespmem:s16], [sflag:$0x1], $0x80, s15, s8, $0xb8;
	[tilespmem:$0x16400] =	vst v63  }
0x47: {  	_ = 	snop  }
0x48: {  	[hbm4b:s7+s8] =	stream.indirect.scatter [tilespmem:s18], [sflag:$0x1], $0x80, s17, s8, $0xb8;
	[tilespmem:$0x16400] =	vst v63  }
0x49: {  	_ = 	snop  }
0x4a: {  	[hbm4b:s7+s8] =	stream.indirect.scatter [tilespmem:s20], [sflag:$0x1], $0x80, s19, s8, $0xb8;
	[tilespmem:$0x16400] =	vst v63  }
0x4b: {  	_ = 	snop  }
0x4c: {  	[hbm4b:s7+s8] =	stream.indirect.scatter [tilespmem:s23], [sflag:$0x1], $0x80, s21, s8, $0xb8;
	[tilespmem:$0x16400] =	vst v63  }
0x4d: {  	_ =	swait.ge [sflag:s22], $0x2C00  }
0x4e: {  	[sflag:s22] =	ssyncset.done $0x0  }
0x4f: {  	[sflag:s22] =	ssyncadd.s32 $0xFFFFD400  }
0x50: {  	_ =	swait.ge [sflag:s22], $0x2C00  }
0x51: {  	[sflag:s22] =	ssyncset.done $0x0  }
0x52: {  	[sflag:s22] =	ssyncadd.s32 $0xFFFFD400  }
0x53: {  	_ =	swait.ge [sflag:s22], $0x2C00  }
0x54: {  	[sflag:s22] =	ssyncset.done $0x0  }
0x55: {  	[sflag:s22] =	ssyncadd.s32 $0xFFFFD400  }
0x56: {  	_ =	swait.ge [sflag:s22], $0x2C00  }
0x57: {  	[sflag:s22] =	ssyncset.done $0x0  }
0x58: {  	[sflag:s22] =	ssyncadd.s32 $0xFFFFD400  }
0x59: {  	_ =	swait.ge [sflag:s22], $0x2C00  }
0x5a: {  	[sflag:s22] =	ssyncset.done $0x0  }
0x5b: {  	[sflag:s22] =	ssyncadd.s32 $0xFFFFD400  }
0x5c: {  	_ =	swait.ge [sflag:s22], $0x2C00  }
0x5d: {  	[sflag:s22] =	ssyncset.done $0x0  }
0x5e: {  	[sflag:s22] =	ssyncadd.s32 $0xFFFFD400  }
.Ltmp1:
0x5f: {  	_ =	swait.ge [sflag:s22], $0x2C00;
	(pc) =	sbr.rel @p0 .LBB2_1-.Ltmp1, $4  }
0x60: {  	[sflag:s22] =	ssyncset.done $0x0  }
0x61: {  	[sflag:s22] =	ssyncadd.s32 $0xFFFFD400  }
0x62: {  	_ =	swait.ge [sflag:s22], $0x2C00  }
0x63: {  	[sflag:s22] =	ssyncset.done $0x0  }
.LBB2_2:
0x64: {  	[sflag:s22] =	ssyncadd.s32 $0xFFFFD400  }
0x65: {  	_ =	sfence.sel $0x180000  }
0x66: {  	[bflag:$0x0] =	sbarrier.arrive $0xFFFF  }
0x67: {  	p0 =	sne.s32 s0, $0x0;
	_ =	strace $0x90000047  }
0x68: {  	s0 =	sadd.s32 @!p0 $0x100000, s1;
	[bflag:$0x2] =	sbarrier.arrive $0xFFFF  }
0x69: {  	[sflag:s0] =	ssyncadd.tile.s32 @!p0 $0x1;
	_ =	shalt  }
.Lfunc_end2:
_tile_overlayer_lowered:
.L_overlay_start_2:
0x6a: {  	(tag) =	ssettag $0x2  }
0x6b: {  	s0 =	rddreg [dreg:$0x0];
	s2 =	stileid.u32  }
0x6c: {  	s1 =	rddreg [dreg:$0x1];
	p0 =	sne.s32 s2, $0x0  }
0x6d: {  	s3 =	rddreg [dreg:$0x2];
	[bflag:$0x3] =	sbarrier.arrive $0xFFFF;
	s2 =	simm.s32 @!p0 $0x1C02  }
0x6e: {  	[timem:s3], [sflag:s2] =	dma.local @!p0 [hbm:s0], s1  }
0x6f: {  	s0 =	simm.s32 @!p0 $0x2  }
0x70: {  	_ =	swait.ge @!p0 [sflag:s0], s1  }
0x71: {  	s1 =	ssub.s32 @!p0 $0x0, s1;
	[sflag:s0] =	ssyncset.done @!p0 $0x0  }
0x72: {  	[sflag:s0] =	ssyncadd.s32 @!p0 s1  }
0x73: {  	[bflag:$0x3] =	sbarrier.arrive $0xFFFF  }
0x74: {  	_ =	shalt  }

</sc_bundles>
